<compile_context>
chip_gen: v7x
topology: tpu7x:2x2x1
jax: 0.10.2.dev20260603
libtpu: 0.0.44.dev20260713+nightly
codegen_flags: <defaults>
</compile_context>

<pallas_src>
import functools

import jax
import jax.numpy as jnp
from jax import lax
from jax.experimental import pallas as pl
from jax.experimental.pallas import tpu as pltpu
from jax.experimental.pallas import tpu_sc as plsc

B, T, ENC_DIM = 16, 4096, 512
N_BINS = 256
NTOT = B * T
NC, NS, L = 2, 16, 16
NW = NC * NS
PER_W = NTOT // NW
CHUNK = 32
NCHUNK = PER_W // CHUNK


NBUF = 4
LOOKAHEAD = 2


def _sc_body(cls_hbm, table_hbm, out_hbm, table_sh, cls_sh, cls_sm,
             rows0, rows1, rows2, rows3,
             rsem, wsem0, wsem1, wsem2, wsem3):
    cid = lax.axis_index("c")
    sid = lax.axis_index("s")
    wid = sid * NC + cid
    base = wid * PER_W

    @pl.when(sid == 0)
    def _():
        pltpu.sync_copy(table_hbm, table_sh)
        pltpu.sync_copy(cls_hbm, cls_sh)

    plsc.subcore_barrier()

    bufs = (rows0, rows1, rows2, rows3)
    wsems = (wsem0, wsem1, wsem2, wsem3)

    def write(g, b):
        return pltpu.make_async_copy(
            bufs[b], out_hbm.at[pl.ds(base + g * CHUNK, CHUNK)], wsems[b])

    def chunk_body(gq, _):
        for bq in range(NBUF):
            g = gq * NBUF + bq
            buf = bufs[bq]
            pltpu.sync_copy(
                cls_sh.at[pl.ds((base + g * CHUNK) * 8, CHUNK * 8)], cls_sm)

            @pl.when(g >= NBUF)
            def _():
                write(g - NBUF, bq).wait()

            def row_start(r, _):
                c = cls_sm[r * 8]
                pltpu.make_async_copy(
                    table_sh.at[pl.ds(c, 1)], buf.at[pl.ds(r, 1)],
                    rsem).start()
                return 0

            lax.fori_loop(0, CHUNK, row_start, 0)

            def row_drain(r, _):
                pltpu.make_async_copy(
                    table_sh.at[pl.ds(0, 1)], buf.at[pl.ds(r, 1)],
                    rsem).wait()
                return 0

            lax.fori_loop(0, CHUNK, row_drain, 0)
            write(g, bq).start()
        return 0

    lax.fori_loop(0, NCHUNK // NBUF, chunk_body, 0)
    for g in range(NCHUNK - NBUF, NCHUNK):
        write(g, g % NBUF).wait()


_sc_lookup = functools.partial(
    pl.kernel,
    out_type=jax.ShapeDtypeStruct((NTOT, ENC_DIM), jnp.float32),
    mesh=plsc.VectorSubcoreMesh(core_axis_name="c", subcore_axis_name="s",
                                num_cores=NC, num_subcores=NS),
    scratch_types=[
        pltpu.VMEM_SHARED((N_BINS, ENC_DIM), jnp.float32),
        pltpu.VMEM_SHARED((NTOT * 8,), jnp.int32),
        pltpu.SMEM((CHUNK * 8,), jnp.int32),
        pltpu.VMEM((CHUNK, ENC_DIM), jnp.float32),
        pltpu.VMEM((CHUNK, ENC_DIM), jnp.float32),
        pltpu.VMEM((CHUNK, ENC_DIM), jnp.float32),
        pltpu.VMEM((CHUNK, ENC_DIM), jnp.float32),
        pltpu.SemaphoreType.DMA,
        pltpu.SemaphoreType.DMA,
        pltpu.SemaphoreType.DMA,
        pltpu.SemaphoreType.DMA,
        pltpu.SemaphoreType.DMA,
    ],
)(_sc_body)


_CLS_BT = 8192


def _tc_cls_body(t_ref, bins_ref, ones_ref, c_ref):
    maskf = (bins_ref[...] < t_ref[...]).astype(jnp.bfloat16)
    c_ref[...] = jnp.dot(maskf, ones_ref[...],
                         preferred_element_type=jnp.float32).astype(jnp.int32)


def _tc_classes(t2d, bins_row, ones8):
    return pl.pallas_call(
        _tc_cls_body,
        grid=(NTOT // _CLS_BT,),
        in_specs=[
            pl.BlockSpec((_CLS_BT, 1), lambda i: (i, 0)),
            pl.BlockSpec((1, N_BINS), lambda i: (0, 0)),
            pl.BlockSpec((N_BINS, 8), lambda i: (0, 0)),
        ],
        out_specs=pl.BlockSpec((_CLS_BT, 8), lambda i: (i, 0)),
        out_shape=jax.ShapeDtypeStruct((NTOT, 8), jnp.int32),
    )(t2d, bins_row, ones8)


_TC_BT = 4096


def _tc_pred_body(f_ref, w_ref, b_ref, o_ref):
    o_ref[...] = jnp.dot(f_ref[...], w_ref[...],
                         preferred_element_type=jnp.float32) + b_ref[0, 0]


def _tc_pred(frames2d, w8, b2d):
    return pl.pallas_call(
        _tc_pred_body,
        grid=(NTOT // _TC_BT,),
        in_specs=[
            pl.BlockSpec((_TC_BT, ENC_DIM), lambda i: (i, 0)),
            pl.BlockSpec((ENC_DIM, 1), lambda i: (0, 0)),
            pl.BlockSpec((1, 1), lambda i: (0, 0)),
        ],
        out_specs=pl.BlockSpec((_TC_BT, 1), lambda i: (i, 0)),
        out_shape=jax.ShapeDtypeStruct((NTOT, 1), jnp.float32),
    )(frames2d, w8, b2d)


def kernel(frames, target, W_pred, b_pred, emb_table, bins):
    bins_row = jnp.concatenate(
        [bins, jnp.full((1,), jnp.inf, jnp.float32)]).reshape(1, N_BINS)
    ones8 = jnp.ones((N_BINS, 8), jnp.bfloat16)
    classes8 = _tc_classes(target.reshape(NTOT, 1), bins_row, ones8)

    emb_flat = _sc_lookup(classes8.reshape(NTOT * 8), emb_table)
    emb = emb_flat.reshape(B, T, ENC_DIM)

    frames2d = frames.reshape(NTOT, ENC_DIM)
    pred1 = _tc_pred(frames2d, W_pred, b_pred.reshape(1, 1))
    prediction = pred1.reshape(B, T)
    return (prediction, emb)

# --- scband reference (transcript-rebuilt; emitter-appended) ---
"""Pipeline reference for scband-embedding-regulator-57002805952996 (READ-ONLY COPY).

The authoritative reference and input builder live on the scoring server;
editing this copy changes nothing except your own understanding.
"""

import jax, jax.numpy as jnp
import numpy as np

B, T, ENC_DIM = 16, 4096, 512
N_BINS = 256
RMIN, RMAX = 1e-3, 1.0

def setup_inputs(seed: int = 0) -> dict:
    key = jax.random.key(seed)
    k1, k2, k3, k4 = jax.random.split(key, 4)
    frames = jax.random.normal(k1, (B, T, ENC_DIM), dtype=jnp.float32)
    target = jax.random.uniform(k2, (B, T), dtype=jnp.float32)
    # Predictor modeled as a linear projection encoder_dim -> 1 (Predictor class unspecified upstream)
    W_pred = (jax.random.normal(k3, (ENC_DIM, 1), dtype=jnp.float32) / np.sqrt(ENC_DIM)).astype(jnp.float32)
    b_pred = jnp.zeros((1,), dtype=jnp.float32)
    emb_table = (jax.random.normal(k4, (N_BINS, ENC_DIM), dtype=jnp.float32) * 0.02).astype(jnp.float32)
    # register_buffer bins: exp(linspace(log(min), log(max), n_bins-1))
    bins = jnp.exp(jnp.linspace(np.log(RMIN), np.log(RMAX), N_BINS - 1)).astype(jnp.float32)
    return {"frames": frames, "target": target, "W_pred": W_pred, "b_pred": b_pred, "emb_table": emb_table, "bins": bins}

def reference(frames, target, W_pred, b_pred, emb_table, bins):
    # predictor(frames): per-frame scalar prediction [B, T]
    prediction = (frames @ W_pred + b_pred)[..., 0]
    # target is not None branch: classes = bucketize(target, bins); emb = embedding(classes)
    # torch.bucketize(right=False) == searchsorted side='left'
    classes = jnp.searchsorted(bins, target, side='left')
    emb = jnp.take(emb_table, classes, axis=0)
    return (prediction, emb)

if __name__ == "__main__":
    import jax
    _d = setup_inputs()
    print(jax.jit(kernel)(*tuple(_d.values())))

</pallas_src>

<mosaic_0001>
#map = affine_map<(d0, d1) -> (0)>
#map1 = affine_map<(d0, d1) -> (0, 0)>
module attributes {stable_mosaic.version = 14 : i64} {
  func.func @_sc_body(%arg0: i32, %arg1: i32, %arg2: memref<524288xi32, #tpu.memory_space<hbm>>, %arg3: memref<256x512xf32, #tpu.memory_space<hbm>>, %arg4: memref<65536x512xf32, #tpu.memory_space<hbm>>, %arg5: memref<256x512xf32, #tpu.memory_space<vmem_shared>>, %arg6: memref<524288xi32, #tpu.memory_space<vmem_shared>>, %arg7: memref<256xi32, #tpu.memory_space<smem>>, %arg8: memref<32x512xf32, #tpu.memory_space<vmem>>, %arg9: memref<32x512xf32, #tpu.memory_space<vmem>>, %arg10: memref<32x512xf32, #tpu.memory_space<vmem>>, %arg11: memref<32x512xf32, #tpu.memory_space<vmem>>, %arg12: memref<!tpu.dma_semaphore, #tpu.memory_space<semaphore_mem>>, %arg13: memref<!tpu.dma_semaphore, #tpu.memory_space<semaphore_mem>>, %arg14: memref<!tpu.dma_semaphore, #tpu.memory_space<semaphore_mem>>, %arg15: memref<!tpu.dma_semaphore, #tpu.memory_space<semaphore_mem>>, %arg16: memref<!tpu.dma_semaphore, #tpu.memory_space<semaphore_mem>>) attributes {dimension_semantics = [#tpu.dimension_semantics<core_parallel>, #tpu.dimension_semantics<subcore_parallel>], iteration_bounds = array<i64: 2, 16>, scalar_prefetch = 0 : i64, scratch_operands = 12 : i64, tpu.core_type = #tpu.core_type<sc_vector_subcore>, window_params = [{transform_indices = #map}, {transform_indices = #map1}, {transform_indices = #map1}]} {
    %mul3A = arith.constant 2 : i32
    %mul3A_0 = arith.muli %arg1, %mul3A : i32
    %add3A = arith.addi %mul3A_0, %arg0 : i32
    %mul3A_1 = arith.constant 2048 : i32
    %mul3A_2 = arith.muli %add3A, %mul3A_1 : i32
    %eq3A = arith.constant 0 : i32
    %eq3A_3 = arith.cmpi eq, %arg1, %eq3A : i32
    %convert_element_type3A = arith.extui %eq3A_3 : i1 to i32
    %cond3A = arith.constant 0 : i32
    %cond3A_4 = arith.cmpi ne, %convert_element_type3A, %cond3A : i32
    scf.if %cond3A_4 {
      "tpu.region"() ({
        %run_scoped3A = tpu.sem_alloc : memref<!tpu.dma_semaphore, #tpu.memory_space<semaphore_mem>>
        tpu.enqueue_dma source(%arg3 : memref<256x512xf32, #tpu.memory_space<hbm>>) target(%arg5 : memref<256x512xf32, #tpu.memory_space<vmem_shared>>) target_semaphore(%run_scoped3A : memref<!tpu.dma_semaphore, #tpu.memory_space<semaphore_mem>>)
        tpu.wait_dma2 semaphore(%run_scoped3A : memref<!tpu.dma_semaphore, #tpu.memory_space<semaphore_mem>>) src(%arg3 : memref<256x512xf32, #tpu.memory_space<hbm>>) dst(%arg5 : memref<256x512xf32, #tpu.memory_space<vmem_shared>>)
        tpu.yield
      }) : () -> ()
      "tpu.region"() ({
        %run_scoped3A = tpu.sem_alloc : memref<!tpu.dma_semaphore, #tpu.memory_space<semaphore_mem>>
        tpu.enqueue_dma source(%arg2 : memref<524288xi32, #tpu.memory_space<hbm>>) target(%arg6 : memref<524288xi32, #tpu.memory_space<vmem_shared>>) target_semaphore(%run_scoped3A : memref<!tpu.dma_semaphore, #tpu.memory_space<semaphore_mem>>)
        tpu.wait_dma2 semaphore(%run_scoped3A : memref<!tpu.dma_semaphore, #tpu.memory_space<semaphore_mem>>) src(%arg2 : memref<524288xi32, #tpu.memory_space<hbm>>) dst(%arg6 : memref<524288xi32, #tpu.memory_space<vmem_shared>>)
        tpu.yield
      }) : () -> ()
    } else {
    }
    %barrier3A = arith.constant 0 : index
    tpu.barrier barrier_id(%barrier3A)
    %scan3A = arith.constant 0 : i32
    %scan3A_5 = arith.constant 0 : i32
    %scan3A_6 = arith.constant 16 : i32
    %scan3A_7 = arith.addi %scan3A_5, %scan3A_6 : i32
    %scan3A_8 = arith.constant 1 : i32
    %scan3A_9 = scf.for %scan3A_34 = %scan3A_5 to %scan3A_7 step %scan3A_8 iter_args(%scan3A_35 = %scan3A) -> (i32)  : i32 {
      %mul3A_36 = arith.constant 4 : i32
      %mul3A_37 = arith.muli %scan3A_34, %mul3A_36 : i32
      %add3A_38 = arith.constant 0 : i32
      %add3A_39 = arith.addi %mul3A_37, %add3A_38 : i32
      %mul3A_40 = arith.constant 32 : i32
      %mul3A_41 = arith.muli %add3A_39, %mul3A_40 : i32
      %add3A_42 = arith.addi %mul3A_2, %mul3A_41 : i32
      %mul3A_43 = arith.constant 8 : i32
      %mul3A_44 = arith.muli %add3A_42, %mul3A_43 : i32
      "tpu.region"() ({
        %run_scoped3A = tpu.sem_alloc : memref<!tpu.dma_semaphore, #tpu.memory_space<semaphore_mem>>
        %dma_start3A_175 = tpu.memref_slice %arg6[%mul3A_44] : memref<524288xi32, #tpu.memory_space<vmem_shared>> -> memref<256xi32, #tpu.memory_space<vmem_shared>>
        tpu.enqueue_dma source(%dma_start3A_175 : memref<256xi32, #tpu.memory_space<vmem_shared>>) target(%arg7 : memref<256xi32, #tpu.memory_space<smem>>) target_semaphore(%run_scoped3A : memref<!tpu.dma_semaphore, #tpu.memory_space<semaphore_mem>>)
        %dma_wait3A_176 = tpu.memref_slice %arg6[%mul3A_44] : memref<524288xi32, #tpu.memory_space<vmem_shared>> -> memref<256xi32, #tpu.memory_space<vmem_shared>>
        tpu.wait_dma2 semaphore(%run_scoped3A : memref<!tpu.dma_semaphore, #tpu.memory_space<semaphore_mem>>) src(%dma_wait3A_176 : memref<256xi32, #tpu.memory_space<vmem_shared>>) dst(%arg7 : memref<256xi32, #tpu.memory_space<smem>>)
        tpu.yield
      }) : () -> ()
      %ge3A = arith.constant 4 : i32
      %ge3A_45 = arith.cmpi sge, %add3A_39, %ge3A : i32
      %convert_element_type3A_46 = arith.extui %ge3A_45 : i1 to i32
      %cond3A_47 = arith.constant 0 : i32
      %cond3A_48 = arith.cmpi ne, %convert_element_type3A_46, %cond3A_47 : i32
      scf.if %cond3A_48 {
        %sub3A = arith.constant 4 : i32
        %sub3A_175 = arith.subi %add3A_39, %sub3A : i32
        %mul3A_176 = arith.constant 32 : i32
        %mul3A_177 = arith.muli %sub3A_175, %mul3A_176 : i32
        %add3A_178 = arith.addi %mul3A_2, %mul3A_177 : i32
        %dma_wait3A_179 = arith.constant 0 : i32
        %dma_wait3A_180 = tpu.memref_slice %arg4[%add3A_178, %dma_wait3A_179] : memref<65536x512xf32, #tpu.memory_space<hbm>> -> memref<32x512xf32, #tpu.memory_space<hbm>>
        %dma_wait3A_181 = arith.constant 0 : i32
        %dma_wait3A_182 = tpu.memref_slice %arg4[%add3A_178, %dma_wait3A_181] : memref<65536x512xf32, #tpu.memory_space<hbm>> -> memref<32x512xf32, #tpu.memory_space<hbm>>
        tpu.wait_dma2 semaphore(%arg13 : memref<!tpu.dma_semaphore, #tpu.memory_space<semaphore_mem>>) src(%arg8 : memref<32x512xf32, #tpu.memory_space<vmem>>) dst(%dma_wait3A_182 : memref<32x512xf32, #tpu.memory_space<hbm>>)
      } else {
      }
      %scan3A_49 = arith.constant 0 : i32
      %scan3A_50 = arith.constant 0 : i32
      %scan3A_51 = arith.constant 32 : i32
      %scan3A_52 = arith.addi %scan3A_50, %scan3A_51 : i32
      %scan3A_53 = arith.constant 1 : i32
      %scan3A_54 = scf.for %scan3A_175 = %scan3A_50 to %scan3A_52 step %scan3A_53 iter_args(%scan3A_176 = %scan3A_49) -> (i32)  : i32 {
        %mul3A_177 = arith.constant 8 : i32
        %mul3A_178 = arith.muli %scan3A_175, %mul3A_177 : i32
        %get3A = arith.index_cast %mul3A_178 : i32 to index
        %get3A_179 = memref.load %arg7[%get3A] : memref<256xi32, #tpu.memory_space<smem>>
        %dma_start3A_180 = arith.constant 0 : i32
        %dma_start3A_181 = tpu.memref_slice %arg8[%scan3A_175, %dma_start3A_180] : memref<32x512xf32, #tpu.memory_space<vmem>> -> memref<1x512xf32, #tpu.memory_space<vmem>>
        %dma_start3A_182 = arith.constant 0 : i32
        %dma_start3A_183 = tpu.memref_slice %arg5[%get3A_179, %dma_start3A_182] : memref<256x512xf32, #tpu.memory_space<vmem_shared>> -> memref<1x512xf32, #tpu.memory_space<vmem_shared>>
        %dma_start3A_184 = arith.constant 0 : i32
        %dma_start3A_185 = tpu.memref_slice %arg8[%scan3A_175, %dma_start3A_184] : memref<32x512xf32, #tpu.memory_space<vmem>> -> memref<1x512xf32, #tpu.memory_space<vmem>>
        %dma_start3A_186 = arith.constant 0 : i32
        %dma_start3A_187 = tpu.memref_slice %arg5[%get3A_179, %dma_start3A_186] : memref<256x512xf32, #tpu.memory_space<vmem_shared>> -> memref<1x512xf32, #tpu.memory_space<vmem_shared>>
        tpu.enqueue_dma source(%dma_start3A_187 : memref<1x512xf32, #tpu.memory_space<vmem_shared>>) target(%dma_start3A_185 : memref<1x512xf32, #tpu.memory_space<vmem>>) target_semaphore(%arg12 : memref<!tpu.dma_semaphore, #tpu.memory_space<semaphore_mem>>)
        %scan3A_188 = arith.constant 0 : i32
        scf.yield %scan3A_188 : i32
      }
      %scan3A_55 = arith.constant 32 : i32
      %scan3A_56 = arith.constant 0 : i32
      %scan3A_57 = arith.constant 0 : i32
      %scan3A_58 = arith.constant 32 : i32
      %scan3A_59 = arith.addi %scan3A_57, %scan3A_58 : i32
      %scan3A_60 = arith.constant 1 : i32
      %scan3A_61 = scf.for %scan3A_175 = %scan3A_57 to %scan3A_59 step %scan3A_60 iter_args(%scan3A_176 = %scan3A_56) -> (i32)  : i32 {
        %dma_wait3A_177 = arith.constant 0 : i32
        %dma_wait3A_178 = tpu.memref_slice %arg8[%scan3A_175, %dma_wait3A_177] : memref<32x512xf32, #tpu.memory_space<vmem>> -> memref<1x512xf32, #tpu.memory_space<vmem>>
        %dma_wait3A_179 = arith.constant 0 : i32
        %dma_wait3A_180 = arith.constant 0 : i32
        %dma_wait3A_181 = tpu.memref_slice %arg5[%dma_wait3A_179, %dma_wait3A_180] : memref<256x512xf32, #tpu.memory_space<vmem_shared>> -> memref<1x512xf32, #tpu.memory_space<vmem_shared>>
        %dma_wait3A_182 = arith.constant 0 : i32
        %dma_wait3A_183 = tpu.memref_slice %arg8[%scan3A_175, %dma_wait3A_182] : memref<32x512xf32, #tpu.memory_space<vmem>> -> memref<1x512xf32, #tpu.memory_space<vmem>>
        %dma_wait3A_184 = arith.constant 0 : i32
        %dma_wait3A_185 = arith.constant 0 : i32
        %dma_wait3A_186 = tpu.memref_slice %arg5[%dma_wait3A_184, %dma_wait3A_185] : memref<256x512xf32, #tpu.memory_space<vmem_shared>> -> memref<1x512xf32, #tpu.memory_space<vmem_shared>>
        tpu.wait_dma2 semaphore(%arg12 : memref<!tpu.dma_semaphore, #tpu.memory_space<semaphore_mem>>) src(%dma_wait3A_186 : memref<1x512xf32, #tpu.memory_space<vmem_shared>>) dst(%dma_wait3A_183 : memref<1x512xf32, #tpu.memory_space<vmem>>)
        %scan3A_187 = arith.constant 0 : i32
        scf.yield %scan3A_187 : i32
      }
      %scan3A_62 = arith.constant 32 : i32
      %mul3A_63 = arith.constant 32 : i32
      %mul3A_64 = arith.muli %add3A_39, %mul3A_63 : i32
      %add3A_65 = arith.addi %mul3A_2, %mul3A_64 : i32
      %dma_start3A = arith.constant 0 : i32
      %dma_start3A_66 = tpu.memref_slice %arg4[%add3A_65, %dma_start3A] : memref<65536x512xf32, #tpu.memory_space<hbm>> -> memref<32x512xf32, #tpu.memory_space<hbm>>
      %dma_start3A_67 = arith.constant 0 : i32
      %dma_start3A_68 = tpu.memref_slice %arg4[%add3A_65, %dma_start3A_67] : memref<65536x512xf32, #tpu.memory_space<hbm>> -> memref<32x512xf32, #tpu.memory_space<hbm>>
      tpu.enqueue_dma source(%arg8 : memref<32x512xf32, #tpu.memory_space<vmem>>) target(%dma_start3A_68 : memref<32x512xf32, #tpu.memory_space<hbm>>) target_semaphore(%arg13 : memref<!tpu.dma_semaphore, #tpu.memory_space<semaphore_mem>>)
      %mul3A_69 = arith.constant 4 : i32
      %mul3A_70 = arith.muli %scan3A_34, %mul3A_69 : i32
      %add3A_71 = arith.constant 1 : i32
      %add3A_72 = arith.addi %mul3A_70, %add3A_71 : i32
      %mul3A_73 = arith.constant 32 : i32
      %mul3A_74 = arith.muli %add3A_72, %mul3A_73 : i32
      %add3A_75 = arith.addi %mul3A_2, %mul3A_74 : i32
      %mul3A_76 = arith.constant 8 : i32
      %mul3A_77 = arith.muli %add3A_75, %mul3A_76 : i32
      "tpu.region"() ({
        %run_scoped3A = tpu.sem_alloc : memref<!tpu.dma_semaphore, #tpu.memory_space<semaphore_mem>>
        %dma_start3A_175 = tpu.memref_slice %arg6[%mul3A_77] : memref<524288xi32, #tpu.memory_space<vmem_shared>> -> memref<256xi32, #tpu.memory_space<vmem_shared>>
        tpu.enqueue_dma source(%dma_start3A_175 : memref<256xi32, #tpu.memory_space<vmem_shared>>) target(%arg7 : memref<256xi32, #tpu.memory_space<smem>>) target_semaphore(%run_scoped3A : memref<!tpu.dma_semaphore, #tpu.memory_space<semaphore_mem>>)
        %dma_wait3A_176 = tpu.memref_slice %arg6[%mul3A_77] : memref<524288xi32, #tpu.memory_space<vmem_shared>> -> memref<256xi32, #tpu.memory_space<vmem_shared>>
        tpu.wait_dma2 semaphore(%run_scoped3A : memref<!tpu.dma_semaphore, #tpu.memory_space<semaphore_mem>>) src(%dma_wait3A_176 : memref<256xi32, #tpu.memory_space<vmem_shared>>) dst(%arg7 : memref<256xi32, #tpu.memory_space<smem>>)
        tpu.yield
      }) : () -> ()
      %ge3A_78 = arith.constant 4 : i32
      %ge3A_79 = arith.cmpi sge, %add3A_72, %ge3A_78 : i32
      %convert_element_type3A_80 = arith.extui %ge3A_79 : i1 to i32
      %cond3A_81 = arith.constant 0 : i32
      %cond3A_82 = arith.cmpi ne, %convert_element_type3A_80, %cond3A_81 : i32
      scf.if %cond3A_82 {
        %sub3A = arith.constant 4 : i32
        %sub3A_175 = arith.subi %add3A_72, %sub3A : i32
        %mul3A_176 = arith.constant 32 : i32
        %mul3A_177 = arith.muli %sub3A_175, %mul3A_176 : i32
        %add3A_178 = arith.addi %mul3A_2, %mul3A_177 : i32
        %dma_wait3A_179 = arith.constant 0 : i32
        %dma_wait3A_180 = tpu.memref_slice %arg4[%add3A_178, %dma_wait3A_179] : memref<65536x512xf32, #tpu.memory_space<hbm>> -> memref<32x512xf32, #tpu.memory_space<hbm>>
        %dma_wait3A_181 = arith.constant 0 : i32
        %dma_wait3A_182 = tpu.memref_slice %arg4[%add3A_178, %dma_wait3A_181] : memref<65536x512xf32, #tpu.memory_space<hbm>> -> memref<32x512xf32, #tpu.memory_space<hbm>>
        tpu.wait_dma2 semaphore(%arg14 : memref<!tpu.dma_semaphore, #tpu.memory_space<semaphore_mem>>) src(%arg9 : memref<32x512xf32, #tpu.memory_space<vmem>>) dst(%dma_wait3A_182 : memref<32x512xf32, #tpu.memory_space<hbm>>)
      } else {
      }
      %scan3A_83 = arith.constant 0 : i32
      %scan3A_84 = arith.constant 0 : i32
      %scan3A_85 = arith.constant 32 : i32
      %scan3A_86 = arith.addi %scan3A_84, %scan3A_85 : i32
      %scan3A_87 = arith.constant 1 : i32
      %scan3A_88 = scf.for %scan3A_175 = %scan3A_84 to %scan3A_86 step %scan3A_87 iter_args(%scan3A_176 = %scan3A_83) -> (i32)  : i32 {
        %mul3A_177 = arith.constant 8 : i32
        %mul3A_178 = arith.muli %scan3A_175, %mul3A_177 : i32
        %get3A = arith.index_cast %mul3A_178 : i32 to index
        %get3A_179 = memref.load %arg7[%get3A] : memref<256xi32, #tpu.memory_space<smem>>
        %dma_start3A_180 = arith.constant 0 : i32
        %dma_start3A_181 = tpu.memref_slice %arg9[%scan3A_175, %dma_start3A_180] : memref<32x512xf32, #tpu.memory_space<vmem>> -> memref<1x512xf32, #tpu.memory_space<vmem>>
        %dma_start3A_182 = arith.constant 0 : i32
        %dma_start3A_183 = tpu.memref_slice %arg5[%get3A_179, %dma_start3A_182] : memref<256x512xf32, #tpu.memory_space<vmem_shared>> -> memref<1x512xf32, #tpu.memory_space<vmem_shared>>
        %dma_start3A_184 = arith.constant 0 : i32
        %dma_start3A_185 = tpu.memref_slice %arg9[%scan3A_175, %dma_start3A_184] : memref<32x512xf32, #tpu.memory_space<vmem>> -> memref<1x512xf32, #tpu.memory_space<vmem>>
        %dma_start3A_186 = arith.constant 0 : i32
        %dma_start3A_187 = tpu.memref_slice %arg5[%get3A_179, %dma_start3A_186] : memref<256x512xf32, #tpu.memory_space<vmem_shared>> -> memref<1x512xf32, #tpu.memory_space<vmem_shared>>
        tpu.enqueue_dma source(%dma_start3A_187 : memref<1x512xf32, #tpu.memory_space<vmem_shared>>) target(%dma_start3A_185 : memref<1x512xf32, #tpu.memory_space<vmem>>) target_semaphore(%arg12 : memref<!tpu.dma_semaphore, #tpu.memory_space<semaphore_mem>>)
        %scan3A_188 = arith.constant 0 : i32
        scf.yield %scan3A_188 : i32
      }
      %scan3A_89 = arith.constant 32 : i32
      %scan3A_90 = arith.constant 0 : i32
      %scan3A_91 = arith.constant 0 : i32
      %scan3A_92 = arith.constant 32 : i32
      %scan3A_93 = arith.addi %scan3A_91, %scan3A_92 : i32
      %scan3A_94 = arith.constant 1 : i32
      %scan3A_95 = scf.for %scan3A_175 = %scan3A_91 to %scan3A_93 step %scan3A_94 iter_args(%scan3A_176 = %scan3A_90) -> (i32)  : i32 {
        %dma_wait3A_177 = arith.constant 0 : i32
        %dma_wait3A_178 = tpu.memref_slice %arg9[%scan3A_175, %dma_wait3A_177] : memref<32x512xf32, #tpu.memory_space<vmem>> -> memref<1x512xf32, #tpu.memory_space<vmem>>
        %dma_wait3A_179 = arith.constant 0 : i32
        %dma_wait3A_180 = arith.constant 0 : i32
        %dma_wait3A_181 = tpu.memref_slice %arg5[%dma_wait3A_179, %dma_wait3A_180] : memref<256x512xf32, #tpu.memory_space<vmem_shared>> -> memref<1x512xf32, #tpu.memory_space<vmem_shared>>
        %dma_wait3A_182 = arith.constant 0 : i32
        %dma_wait3A_183 = tpu.memref_slice %arg9[%scan3A_175, %dma_wait3A_182] : memref<32x512xf32, #tpu.memory_space<vmem>> -> memref<1x512xf32, #tpu.memory_space<vmem>>
        %dma_wait3A_184 = arith.constant 0 : i32
        %dma_wait3A_185 = arith.constant 0 : i32
        %dma_wait3A_186 = tpu.memref_slice %arg5[%dma_wait3A_184, %dma_wait3A_185] : memref<256x512xf32, #tpu.memory_space<vmem_shared>> -> memref<1x512xf32, #tpu.memory_space<vmem_shared>>
        tpu.wait_dma2 semaphore(%arg12 : memref<!tpu.dma_semaphore, #tpu.memory_space<semaphore_mem>>) src(%dma_wait3A_186 : memref<1x512xf32, #tpu.memory_space<vmem_shared>>) dst(%dma_wait3A_183 : memref<1x512xf32, #tpu.memory_space<vmem>>)
        %scan3A_187 = arith.constant 0 : i32
        scf.yield %scan3A_187 : i32
      }
      %scan3A_96 = arith.constant 32 : i32
      %mul3A_97 = arith.constant 32 : i32
      %mul3A_98 = arith.muli %add3A_72, %mul3A_97 : i32
      %add3A_99 = arith.addi %mul3A_2, %mul3A_98 : i32
      %dma_start3A_100 = arith.constant 0 : i32
      %dma_start3A_101 = tpu.memref_slice %arg4[%add3A_99, %dma_start3A_100] : memref<65536x512xf32, #tpu.memory_space<hbm>> -> memref<32x512xf32, #tpu.memory_space<hbm>>
      %dma_start3A_102 = arith.constant 0 : i32
      %dma_start3A_103 = tpu.memref_slice %arg4[%add3A_99, %dma_start3A_102] : memref<65536x512xf32, #tpu.memory_space<hbm>> -> memref<32x512xf32, #tpu.memory_space<hbm>>
      tpu.enqueue_dma source(%arg9 : memref<32x512xf32, #tpu.memory_space<vmem>>) target(%dma_start3A_103 : memref<32x512xf32, #tpu.memory_space<hbm>>) target_semaphore(%arg14 : memref<!tpu.dma_semaphore, #tpu.memory_space<semaphore_mem>>)
      %mul3A_104 = arith.constant 4 : i32
      %mul3A_105 = arith.muli %scan3A_34, %mul3A_104 : i32
      %add3A_106 = arith.constant 2 : i32
      %add3A_107 = arith.addi %mul3A_105, %add3A_106 : i32
      %mul3A_108 = arith.constant 32 : i32
      %mul3A_109 = arith.muli %add3A_107, %mul3A_108 : i32
      %add3A_110 = arith.addi %mul3A_2, %mul3A_109 : i32
      %mul3A_111 = arith.constant 8 : i32
      %mul3A_112 = arith.muli %add3A_110, %mul3A_111 : i32
      "tpu.region"() ({
        %run_scoped3A = tpu.sem_alloc : memref<!tpu.dma_semaphore, #tpu.memory_space<semaphore_mem>>
        %dma_start3A_175 = tpu.memref_slice %arg6[%mul3A_112] : memref<524288xi32, #tpu.memory_space<vmem_shared>> -> memref<256xi32, #tpu.memory_space<vmem_shared>>
        tpu.enqueue_dma source(%dma_start3A_175 : memref<256xi32, #tpu.memory_space<vmem_shared>>) target(%arg7 : memref<256xi32, #tpu.memory_space<smem>>) target_semaphore(%run_scoped3A : memref<!tpu.dma_semaphore, #tpu.memory_space<semaphore_mem>>)
        %dma_wait3A_176 = tpu.memref_slice %arg6[%mul3A_112] : memref<524288xi32, #tpu.memory_space<vmem_shared>> -> memref<256xi32, #tpu.memory_space<vmem_shared>>
        tpu.wait_dma2 semaphore(%run_scoped3A : memref<!tpu.dma_semaphore, #tpu.memory_space<semaphore_mem>>) src(%dma_wait3A_176 : memref<256xi32, #tpu.memory_space<vmem_shared>>) dst(%arg7 : memref<256xi32, #tpu.memory_space<smem>>)
        tpu.yield
      }) : () -> ()
      %ge3A_113 = arith.constant 4 : i32
      %ge3A_114 = arith.cmpi sge, %add3A_107, %ge3A_113 : i32
      %convert_element_type3A_115 = arith.extui %ge3A_114 : i1 to i32
      %cond3A_116 = arith.constant 0 : i32
      %cond3A_117 = arith.cmpi ne, %convert_element_type3A_115, %cond3A_116 : i32
      scf.if %cond3A_117 {
        %sub3A = arith.constant 4 : i32
        %sub3A_175 = arith.subi %add3A_107, %sub3A : i32
        %mul3A_176 = arith.constant 32 : i32
        %mul3A_177 = arith.muli %sub3A_175, %mul3A_176 : i32
        %add3A_178 = arith.addi %mul3A_2, %mul3A_177 : i32
        %dma_wait3A_179 = arith.constant 0 : i32
        %dma_wait3A_180 = tpu.memref_slice %arg4[%add3A_178, %dma_wait3A_179] : memref<65536x512xf32, #tpu.memory_space<hbm>> -> memref<32x512xf32, #tpu.memory_space<hbm>>
        %dma_wait3A_181 = arith.constant 0 : i32
        %dma_wait3A_182 = tpu.memref_slice %arg4[%add3A_178, %dma_wait3A_181] : memref<65536x512xf32, #tpu.memory_space<hbm>> -> memref<32x512xf32, #tpu.memory_space<hbm>>
        tpu.wait_dma2 semaphore(%arg15 : memref<!tpu.dma_semaphore, #tpu.memory_space<semaphore_mem>>) src(%arg10 : memref<32x512xf32, #tpu.memory_space<vmem>>) dst(%dma_wait3A_182 : memref<32x512xf32, #tpu.memory_space<hbm>>)
      } else {
      }
      %scan3A_118 = arith.constant 0 : i32
      %scan3A_119 = arith.constant 0 : i32
      %scan3A_120 = arith.constant 32 : i32
      %scan3A_121 = arith.addi %scan3A_119, %scan3A_120 : i32
      %scan3A_122 = arith.constant 1 : i32
      %scan3A_123 = scf.for %scan3A_175 = %scan3A_119 to %scan3A_121 step %scan3A_122 iter_args(%scan3A_176 = %scan3A_118) -> (i32)  : i32 {
        %mul3A_177 = arith.constant 8 : i32
        %mul3A_178 = arith.muli %scan3A_175, %mul3A_177 : i32
        %get3A = arith.index_cast %mul3A_178 : i32 to index
        %get3A_179 = memref.load %arg7[%get3A] : memref<256xi32, #tpu.memory_space<smem>>
        %dma_start3A_180 = arith.constant 0 : i32
        %dma_start3A_181 = tpu.memref_slice %arg10[%scan3A_175, %dma_start3A_180] : memref<32x512xf32, #tpu.memory_space<vmem>> -> memref<1x512xf32, #tpu.memory_space<vmem>>
        %dma_start3A_182 = arith.constant 0 : i32
        %dma_start3A_183 = tpu.memref_slice %arg5[%get3A_179, %dma_start3A_182] : memref<256x512xf32, #tpu.memory_space<vmem_shared>> -> memref<1x512xf32, #tpu.memory_space<vmem_shared>>
        %dma_start3A_184 = arith.constant 0 : i32
        %dma_start3A_185 = tpu.memref_slice %arg10[%scan3A_175, %dma_start3A_184] : memref<32x512xf32, #tpu.memory_space<vmem>> -> memref<1x512xf32, #tpu.memory_space<vmem>>
        %dma_start3A_186 = arith.constant 0 : i32
        %dma_start3A_187 = tpu.memref_slice %arg5[%get3A_179, %dma_start3A_186] : memref<256x512xf32, #tpu.memory_space<vmem_shared>> -> memref<1x512xf32, #tpu.memory_space<vmem_shared>>
        tpu.enqueue_dma source(%dma_start3A_187 : memref<1x512xf32, #tpu.memory_space<vmem_shared>>) target(%dma_start3A_185 : memref<1x512xf32, #tpu.memory_space<vmem>>) target_semaphore(%arg12 : memref<!tpu.dma_semaphore, #tpu.memory_space<semaphore_mem>>)
        %scan3A_188 = arith.constant 0 : i32
        scf.yield %scan3A_188 : i32
      }
      %scan3A_124 = arith.constant 32 : i32
      %scan3A_125 = arith.constant 0 : i32
      %scan3A_126 = arith.constant 0 : i32
      %scan3A_127 = arith.constant 32 : i32
      %scan3A_128 = arith.addi %scan3A_126, %scan3A_127 : i32
      %scan3A_129 = arith.constant 1 : i32
      %scan3A_130 = scf.for %scan3A_175 = %scan3A_126 to %scan3A_128 step %scan3A_129 iter_args(%scan3A_176 = %scan3A_125) -> (i32)  : i32 {
        %dma_wait3A_177 = arith.constant 0 : i32
        %dma_wait3A_178 = tpu.memref_slice %arg10[%scan3A_175, %dma_wait3A_177] : memref<32x512xf32, #tpu.memory_space<vmem>> -> memref<1x512xf32, #tpu.memory_space<vmem>>
        %dma_wait3A_179 = arith.constant 0 : i32
        %dma_wait3A_180 = arith.constant 0 : i32
        %dma_wait3A_181 = tpu.memref_slice %arg5[%dma_wait3A_179, %dma_wait3A_180] : memref<256x512xf32, #tpu.memory_space<vmem_shared>> -> memref<1x512xf32, #tpu.memory_space<vmem_shared>>
        %dma_wait3A_182 = arith.constant 0 : i32
        %dma_wait3A_183 = tpu.memref_slice %arg10[%scan3A_175, %dma_wait3A_182] : memref<32x512xf32, #tpu.memory_space<vmem>> -> memref<1x512xf32, #tpu.memory_space<vmem>>
        %dma_wait3A_184 = arith.constant 0 : i32
        %dma_wait3A_185 = arith.constant 0 : i32
        %dma_wait3A_186 = tpu.memref_slice %arg5[%dma_wait3A_184, %dma_wait3A_185] : memref<256x512xf32, #tpu.memory_space<vmem_shared>> -> memref<1x512xf32, #tpu.memory_space<vmem_shared>>
        tpu.wait_dma2 semaphore(%arg12 : memref<!tpu.dma_semaphore, #tpu.memory_space<semaphore_mem>>) src(%dma_wait3A_186 : memref<1x512xf32, #tpu.memory_space<vmem_shared>>) dst(%dma_wait3A_183 : memref<1x512xf32, #tpu.memory_space<vmem>>)
        %scan3A_187 = arith.constant 0 : i32
        scf.yield %scan3A_187 : i32
      }
      %scan3A_131 = arith.constant 32 : i32
      %mul3A_132 = arith.constant 32 : i32
      %mul3A_133 = arith.muli %add3A_107, %mul3A_132 : i32
      %add3A_134 = arith.addi %mul3A_2, %mul3A_133 : i32
      %dma_start3A_135 = arith.constant 0 : i32
      %dma_start3A_136 = tpu.memref_slice %arg4[%add3A_134, %dma_start3A_135] : memref<65536x512xf32, #tpu.memory_space<hbm>> -> memref<32x512xf32, #tpu.memory_space<hbm>>
      %dma_start3A_137 = arith.constant 0 : i32
      %dma_start3A_138 = tpu.memref_slice %arg4[%add3A_134, %dma_start3A_137] : memref<65536x512xf32, #tpu.memory_space<hbm>> -> memref<32x512xf32, #tpu.memory_space<hbm>>
      tpu.enqueue_dma source(%arg10 : memref<32x512xf32, #tpu.memory_space<vmem>>) target(%dma_start3A_138 : memref<32x512xf32, #tpu.memory_space<hbm>>) target_semaphore(%arg15 : memref<!tpu.dma_semaphore, #tpu.memory_space<semaphore_mem>>)
      %mul3A_139 = arith.constant 4 : i32
      %mul3A_140 = arith.muli %scan3A_34, %mul3A_139 : i32
      %add3A_141 = arith.constant 3 : i32
      %add3A_142 = arith.addi %mul3A_140, %add3A_141 : i32
      %mul3A_143 = arith.constant 32 : i32
      %mul3A_144 = arith.muli %add3A_142, %mul3A_143 : i32
      %add3A_145 = arith.addi %mul3A_2, %mul3A_144 : i32
      %mul3A_146 = arith.constant 8 : i32
      %mul3A_147 = arith.muli %add3A_145, %mul3A_146 : i32
      "tpu.region"() ({
        %run_scoped3A = tpu.sem_alloc : memref<!tpu.dma_semaphore, #tpu.memory_space<semaphore_mem>>
        %dma_start3A_175 = tpu.memref_slice %arg6[%mul3A_147] : memref<524288xi32, #tpu.memory_space<vmem_shared>> -> memref<256xi32, #tpu.memory_space<vmem_shared>>
        tpu.enqueue_dma source(%dma_start3A_175 : memref<256xi32, #tpu.memory_space<vmem_shared>>) target(%arg7 : memref<256xi32, #tpu.memory_space<smem>>) target_semaphore(%run_scoped3A : memref<!tpu.dma_semaphore, #tpu.memory_space<semaphore_mem>>)
        %dma_wait3A_176 = tpu.memref_slice %arg6[%mul3A_147] : memref<524288xi32, #tpu.memory_space<vmem_shared>> -> memref<256xi32, #tpu.memory_space<vmem_shared>>
        tpu.wait_dma2 semaphore(%run_scoped3A : memref<!tpu.dma_semaphore, #tpu.memory_space<semaphore_mem>>) src(%dma_wait3A_176 : memref<256xi32, #tpu.memory_space<vmem_shared>>) dst(%arg7 : memref<256xi32, #tpu.memory_space<smem>>)
        tpu.yield
      }) : () -> ()
      %ge3A_148 = arith.constant 4 : i32
      %ge3A_149 = arith.cmpi sge, %add3A_142, %ge3A_148 : i32
      %convert_element_type3A_150 = arith.extui %ge3A_149 : i1 to i32
      %cond3A_151 = arith.constant 0 : i32
      %cond3A_152 = arith.cmpi ne, %convert_element_type3A_150, %cond3A_151 : i32
      scf.if %cond3A_152 {
        %sub3A = arith.constant 4 : i32
        %sub3A_175 = arith.subi %add3A_142, %sub3A : i32
        %mul3A_176 = arith.constant 32 : i32
        %mul3A_177 = arith.muli %sub3A_175, %mul3A_176 : i32
        %add3A_178 = arith.addi %mul3A_2, %mul3A_177 : i32
        %dma_wait3A_179 = arith.constant 0 : i32
        %dma_wait3A_180 = tpu.memref_slice %arg4[%add3A_178, %dma_wait3A_179] : memref<65536x512xf32, #tpu.memory_space<hbm>> -> memref<32x512xf32, #tpu.memory_space<hbm>>
        %dma_wait3A_181 = arith.constant 0 : i32
        %dma_wait3A_182 = tpu.memref_slice %arg4[%add3A_178, %dma_wait3A_181] : memref<65536x512xf32, #tpu.memory_space<hbm>> -> memref<32x512xf32, #tpu.memory_space<hbm>>
        tpu.wait_dma2 semaphore(%arg16 : memref<!tpu.dma_semaphore, #tpu.memory_space<semaphore_mem>>) src(%arg11 : memref<32x512xf32, #tpu.memory_space<vmem>>) dst(%dma_wait3A_182 : memref<32x512xf32, #tpu.memory_space<hbm>>)
      } else {
      }
      %scan3A_153 = arith.constant 0 : i32
      %scan3A_154 = arith.constant 0 : i32
      %scan3A_155 = arith.constant 32 : i32
      %scan3A_156 = arith.addi %scan3A_154, %scan3A_155 : i32
      %scan3A_157 = arith.constant 1 : i32
      %scan3A_158 = scf.for %scan3A_175 = %scan3A_154 to %scan3A_156 step %scan3A_157 iter_args(%scan3A_176 = %scan3A_153) -> (i32)  : i32 {
        %mul3A_177 = arith.constant 8 : i32
        %mul3A_178 = arith.muli %scan3A_175, %mul3A_177 : i32
        %get3A = arith.index_cast %mul3A_178 : i32 to index
        %get3A_179 = memref.load %arg7[%get3A] : memref<256xi32, #tpu.memory_space<smem>>
        %dma_start3A_180 = arith.constant 0 : i32
        %dma_start3A_181 = tpu.memref_slice %arg11[%scan3A_175, %dma_start3A_180] : memref<32x512xf32, #tpu.memory_space<vmem>> -> memref<1x512xf32, #tpu.memory_space<vmem>>
        %dma_start3A_182 = arith.constant 0 : i32
        %dma_start3A_183 = tpu.memref_slice %arg5[%get3A_179, %dma_start3A_182] : memref<256x512xf32, #tpu.memory_space<vmem_shared>> -> memref<1x512xf32, #tpu.memory_space<vmem_shared>>
        %dma_start3A_184 = arith.constant 0 : i32
        %dma_start3A_185 = tpu.memref_slice %arg11[%scan3A_175, %dma_start3A_184] : memref<32x512xf32, #tpu.memory_space<vmem>> -> memref<1x512xf32, #tpu.memory_space<vmem>>
        %dma_start3A_186 = arith.constant 0 : i32
        %dma_start3A_187 = tpu.memref_slice %arg5[%get3A_179, %dma_start3A_186] : memref<256x512xf32, #tpu.memory_space<vmem_shared>> -> memref<1x512xf32, #tpu.memory_space<vmem_shared>>
        tpu.enqueue_dma source(%dma_start3A_187 : memref<1x512xf32, #tpu.memory_space<vmem_shared>>) target(%dma_start3A_185 : memref<1x512xf32, #tpu.memory_space<vmem>>) target_semaphore(%arg12 : memref<!tpu.dma_semaphore, #tpu.memory_space<semaphore_mem>>)
        %scan3A_188 = arith.constant 0 : i32
        scf.yield %scan3A_188 : i32
      }
      %scan3A_159 = arith.constant 32 : i32
      %scan3A_160 = arith.constant 0 : i32
      %scan3A_161 = arith.constant 0 : i32
      %scan3A_162 = arith.constant 32 : i32
      %scan3A_163 = arith.addi %scan3A_161, %scan3A_162 : i32
      %scan3A_164 = arith.constant 1 : i32
      %scan3A_165 = scf.for %scan3A_175 = %scan3A_161 to %scan3A_163 step %scan3A_164 iter_args(%scan3A_176 = %scan3A_160) -> (i32)  : i32 {
        %dma_wait3A_177 = arith.constant 0 : i32
        %dma_wait3A_178 = tpu.memref_slice %arg11[%scan3A_175, %dma_wait3A_177] : memref<32x512xf32, #tpu.memory_space<vmem>> -> memref<1x512xf32, #tpu.memory_space<vmem>>
        %dma_wait3A_179 = arith.constant 0 : i32
        %dma_wait3A_180 = arith.constant 0 : i32
        %dma_wait3A_181 = tpu.memref_slice %arg5[%dma_wait3A_179, %dma_wait3A_180] : memref<256x512xf32, #tpu.memory_space<vmem_shared>> -> memref<1x512xf32, #tpu.memory_space<vmem_shared>>
        %dma_wait3A_182 = arith.constant 0 : i32
        %dma_wait3A_183 = tpu.memref_slice %arg11[%scan3A_175, %dma_wait3A_182] : memref<32x512xf32, #tpu.memory_space<vmem>> -> memref<1x512xf32, #tpu.memory_space<vmem>>
        %dma_wait3A_184 = arith.constant 0 : i32
        %dma_wait3A_185 = arith.constant 0 : i32
        %dma_wait3A_186 = tpu.memref_slice %arg5[%dma_wait3A_184, %dma_wait3A_185] : memref<256x512xf32, #tpu.memory_space<vmem_shared>> -> memref<1x512xf32, #tpu.memory_space<vmem_shared>>
        tpu.wait_dma2 semaphore(%arg12 : memref<!tpu.dma_semaphore, #tpu.memory_space<semaphore_mem>>) src(%dma_wait3A_186 : memref<1x512xf32, #tpu.memory_space<vmem_shared>>) dst(%dma_wait3A_183 : memref<1x512xf32, #tpu.memory_space<vmem>>)
        %scan3A_187 = arith.constant 0 : i32
        scf.yield %scan3A_187 : i32
      }
      %scan3A_166 = arith.constant 32 : i32
      %mul3A_167 = arith.constant 32 : i32
      %mul3A_168 = arith.muli %add3A_142, %mul3A_167 : i32
      %add3A_169 = arith.addi %mul3A_2, %mul3A_168 : i32
      %dma_start3A_170 = arith.constant 0 : i32
      %dma_start3A_171 = tpu.memref_slice %arg4[%add3A_169, %dma_start3A_170] : memref<65536x512xf32, #tpu.memory_space<hbm>> -> memref<32x512xf32, #tpu.memory_space<hbm>>
      %dma_start3A_172 = arith.constant 0 : i32
      %dma_start3A_173 = tpu.memref_slice %arg4[%add3A_169, %dma_start3A_172] : memref<65536x512xf32, #tpu.memory_space<hbm>> -> memref<32x512xf32, #tpu.memory_space<hbm>>
      tpu.enqueue_dma source(%arg11 : memref<32x512xf32, #tpu.memory_space<vmem>>) target(%dma_start3A_173 : memref<32x512xf32, #tpu.memory_space<hbm>>) target_semaphore(%arg16 : memref<!tpu.dma_semaphore, #tpu.memory_space<semaphore_mem>>)
      %scan3A_174 = arith.constant 0 : i32
      scf.yield %scan3A_174 : i32
    }
    %scan3A_10 = arith.constant 16 : i32
    %add3A_11 = arith.constant 1920 : i32
    %add3A_12 = arith.addi %mul3A_2, %add3A_11 : i32
    %dma_wait3A = arith.constant 0 : i32
    %dma_wait3A_13 = tpu.memref_slice %arg4[%add3A_12, %dma_wait3A] : memref<65536x512xf32, #tpu.memory_space<hbm>> -> memref<32x512xf32, #tpu.memory_space<hbm>>
    %dma_wait3A_14 = arith.constant 0 : i32
    %dma_wait3A_15 = tpu.memref_slice %arg4[%add3A_12, %dma_wait3A_14] : memref<65536x512xf32, #tpu.memory_space<hbm>> -> memref<32x512xf32, #tpu.memory_space<hbm>>
    tpu.wait_dma2 semaphore(%arg13 : memref<!tpu.dma_semaphore, #tpu.memory_space<semaphore_mem>>) src(%arg8 : memref<32x512xf32, #tpu.memory_space<vmem>>) dst(%dma_wait3A_15 : memref<32x512xf32, #tpu.memory_space<hbm>>)
    %add3A_16 = arith.constant 1952 : i32
    %add3A_17 = arith.addi %mul3A_2, %add3A_16 : i32
    %dma_wait3A_18 = arith.constant 0 : i32
    %dma_wait3A_19 = tpu.memref_slice %arg4[%add3A_17, %dma_wait3A_18] : memref<65536x512xf32, #tpu.memory_space<hbm>> -> memref<32x512xf32, #tpu.memory_space<hbm>>
    %dma_wait3A_20 = arith.constant 0 : i32
    %dma_wait3A_21 = tpu.memref_slice %arg4[%add3A_17, %dma_wait3A_20] : memref<65536x512xf32, #tpu.memory_space<hbm>> -> memref<32x512xf32, #tpu.memory_space<hbm>>
    tpu.wait_dma2 semaphore(%arg14 : memref<!tpu.dma_semaphore, #tpu.memory_space<semaphore_mem>>) src(%arg9 : memref<32x512xf32, #tpu.memory_space<vmem>>) dst(%dma_wait3A_21 : memref<32x512xf32, #tpu.memory_space<hbm>>)
    %add3A_22 = arith.constant 1984 : i32
    %add3A_23 = arith.addi %mul3A_2, %add3A_22 : i32
    %dma_wait3A_24 = arith.constant 0 : i32
    %dma_wait3A_25 = tpu.memref_slice %arg4[%add3A_23, %dma_wait3A_24] : memref<65536x512xf32, #tpu.memory_space<hbm>> -> memref<32x512xf32, #tpu.memory_space<hbm>>
    %dma_wait3A_26 = arith.constant 0 : i32
    %dma_wait3A_27 = tpu.memref_slice %arg4[%add3A_23, %dma_wait3A_26] : memref<65536x512xf32, #tpu.memory_space<hbm>> -> memref<32x512xf32, #tpu.memory_space<hbm>>
    tpu.wait_dma2 semaphore(%arg15 : memref<!tpu.dma_semaphore, #tpu.memory_space<semaphore_mem>>) src(%arg10 : memref<32x512xf32, #tpu.memory_space<vmem>>) dst(%dma_wait3A_27 : memref<32x512xf32, #tpu.memory_space<hbm>>)
    %add3A_28 = arith.constant 2016 : i32
    %add3A_29 = arith.addi %mul3A_2, %add3A_28 : i32
    %dma_wait3A_30 = arith.constant 0 : i32
    %dma_wait3A_31 = tpu.memref_slice %arg4[%add3A_29, %dma_wait3A_30] : memref<65536x512xf32, #tpu.memory_space<hbm>> -> memref<32x512xf32, #tpu.memory_space<hbm>>
    %dma_wait3A_32 = arith.constant 0 : i32
    %dma_wait3A_33 = tpu.memref_slice %arg4[%add3A_29, %dma_wait3A_32] : memref<65536x512xf32, #tpu.memory_space<hbm>> -> memref<32x512xf32, #tpu.memory_space<hbm>>
    tpu.wait_dma2 semaphore(%arg16 : memref<!tpu.dma_semaphore, #tpu.memory_space<semaphore_mem>>) src(%arg11 : memref<32x512xf32, #tpu.memory_space<vmem>>) dst(%dma_wait3A_33 : memref<32x512xf32, #tpu.memory_space<hbm>>)
    return
  }
}

module attributes {stable_mosaic.version = 14 : i64} {
  func.func @_tc_cls_body(%arg0: i32, %arg1: memref<8192x1xf32, #tpu.memory_space<vmem>>, %arg2: memref<1x256xf32, #tpu.memory_space<vmem>>, %arg3: memref<256x8xbf16, #tpu.memory_space<vmem>>, %arg4: memref<8192x8xi32, #tpu.memory_space<vmem>>) attributes {dimension_semantics = [#tpu.dimension_semantics<arbitrary>], iteration_bounds = array<i64: 8>, scalar_prefetch = 0 : i64, scratch_operands = 0 : i64, tpu.core_type = #tpu.core_type<tc>, window_params = [{transform_indices = @transform_0, window_bounds = array<i64: 8192, 1>}, {pipeline_mode = #tpu.pipeline_mode<synchronous>, transform_indices = @transform_1, window_bounds = array<i64: 1, 256>}, {pipeline_mode = #tpu.pipeline_mode<synchronous>, transform_indices = @transform_2, window_bounds = array<i64: 256, 8>}, {transform_indices = @transform_3, window_bounds = array<i64: 8192, 8>}]} {
    %get3A = arith.constant 0 : index
    %get3A_0 = arith.constant 0 : index
    %get3A_1 = vector.load %arg2[%get3A, %get3A_0] : memref<1x256xf32, #tpu.memory_space<vmem>>, vector<1x256xf32>
    %get3A_2 = arith.constant 0 : index
    %get3A_3 = arith.constant 0 : index
    %get3A_4 = vector.load %arg1[%get3A_2, %get3A_3] : memref<8192x1xf32, #tpu.memory_space<vmem>>, vector<8192x1xf32>
    %lt3A = vector.broadcast %get3A_1 : vector<1x256xf32> to vector<8192x256xf32>
    %lt3A_5 = vector.broadcast %get3A_4 : vector<8192x1xf32> to vector<8192x256xf32>
    %lt3A_6 = arith.cmpf olt, %lt3A, %lt3A_5 : vector<8192x256xf32>
    %convert_element_type3A = arith.extui %lt3A_6 : vector<8192x256xi1> to vector<8192x256xi32>
    %convert_element_type3A_7 = arith.sitofp %convert_element_type3A : vector<8192x256xi32> to vector<8192x256xf32>
    %convert_element_type3A_8 = arith.truncf %convert_element_type3A_7 : vector<8192x256xf32> to vector<8192x256xbf16>
    %get3A_9 = arith.constant 0 : index
    %get3A_10 = arith.constant 0 : index
    %get3A_11 = vector.load %arg3[%get3A_9, %get3A_10] : memref<256x8xbf16, #tpu.memory_space<vmem>>, vector<256x8xbf16>
    %dot_general3A = arith.constant dense<0.000000e+00> : vector<8192x8xf32>
    %dot_general3A_12 = tpu.matmul %convert_element_type3A_8, %get3A_11, %dot_general3A {dimension_numbers = #tpu.dot_dimension_numbers<[1], [0], [0], [1], [0, 0, 1, 1], [], []>, transpose_lhs_hint = false} : vector<8192x256xbf16>, vector<256x8xbf16>, vector<8192x8xf32> -> vector<8192x8xf32>
    %convert_element_type3A_13 = arith.fptosi %dot_general3A_12 : vector<8192x8xf32> to vector<8192x8xi32>
    %swap3A = arith.constant 0 : index
    %swap3A_14 = arith.constant 0 : index
    %swap3A_15 = vector.load %arg4[%swap3A, %swap3A_14] : memref<8192x8xi32, #tpu.memory_space<vmem>>, vector<8192x8xi32>
    tpu.vector_store %arg4[%swap3A, %swap3A_14], %convert_element_type3A_13 {strides = array<i32>} : memref<8192x8xi32, #tpu.memory_space<vmem>>, vector<8192x8xi32>,
    return
  }
  func.func @transform_0(%arg0: i32) -> (i32, i32) {
    %c0_i32 = arith.constant 0 : i32
    %c0_i32_0 = arith.constant 0 : i32
    return %arg0, %c0_i32 : i32, i32
  }
  func.func @transform_1(%arg0: i32) -> (i32, i32) {
    %c0_i32 = arith.constant 0 : i32
    %c0_i32_0 = arith.constant 0 : i32
    %c0_i32_1 = arith.constant 0 : i32
    return %c0_i32, %c0_i32_0 : i32, i32
  }
  func.func @transform_2(%arg0: i32) -> (i32, i32) {
    %c0_i32 = arith.constant 0 : i32
    %c0_i32_0 = arith.constant 0 : i32
    %c0_i32_1 = arith.constant 0 : i32
    return %c0_i32, %c0_i32_0 : i32, i32
  }
  func.func @transform_3(%arg0: i32) -> (i32, i32) {
    %c0_i32 = arith.constant 0 : i32
    %c0_i32_0 = arith.constant 0 : i32
    return %arg0, %c0_i32 : i32, i32
  }
}

module attributes {stable_mosaic.version = 14 : i64} {
  func.func @_tc_pred_body(%arg0: i32, %arg1: memref<4096x512xf32, #tpu.memory_space<vmem>>, %arg2: memref<512x1xf32, #tpu.memory_space<vmem>>, %arg3: memref<1x1xf32, #tpu.memory_space<vmem>>, %arg4: memref<4096x1xf32, #tpu.memory_space<vmem>>) attributes {dimension_semantics = [#tpu.dimension_semantics<arbitrary>], iteration_bounds = array<i64: 16>, scalar_prefetch = 0 : i64, scratch_operands = 0 : i64, tpu.core_type = #tpu.core_type<tc>, window_params = [{transform_indices = @transform_0, window_bounds = array<i64: 4096, 512>}, {pipeline_mode = #tpu.pipeline_mode<synchronous>, transform_indices = @transform_1, window_bounds = array<i64: 512, 1>}, {pipeline_mode = #tpu.pipeline_mode<synchronous>, transform_indices = @transform_2, window_bounds = array<i64: 1, 1>}, {transform_indices = @transform_3, window_bounds = array<i64: 4096, 1>}]} {
    %get3A = arith.constant 0 : index
    %get3A_0 = arith.constant 0 : index
    %get3A_1 = vector.load %arg1[%get3A, %get3A_0] : memref<4096x512xf32, #tpu.memory_space<vmem>>, vector<4096x512xf32>
    %get3A_2 = arith.constant 0 : index
    %get3A_3 = arith.constant 0 : index
    %get3A_4 = vector.load %arg2[%get3A_2, %get3A_3] : memref<512x1xf32, #tpu.memory_space<vmem>>, vector<512x1xf32>
    %dot_general3A = arith.constant dense<0.000000e+00> : vector<4096x1xf32>
    %dot_general3A_5 = tpu.matmul %get3A_1, %get3A_4, %dot_general3A {dimension_numbers = #tpu.dot_dimension_numbers<[1], [0], [0], [1], [0, 0, 1, 1], [], []>, transpose_lhs_hint = false} : vector<4096x512xf32>, vector<512x1xf32>, vector<4096x1xf32> -> vector<4096x1xf32>
    %get3A_6 = arith.constant 0 : index
    %get3A_7 = arith.constant 0 : index
    %get3A_8 = vector.load %arg3[%get3A_6, %get3A_7] : memref<1x1xf32, #tpu.memory_space<vmem>>, vector<1x1xf32>
    %get3A_9 = vector.extract %get3A_8[0, 0] : f32 from vector<1x1xf32>
    %add3A = vector.broadcast %get3A_9 : f32 to vector<4096x1xf32>
    %add3A_10 = arith.addf %dot_general3A_5, %add3A : vector<4096x1xf32>
    %swap3A = arith.constant 0 : index
    %swap3A_11 = arith.constant 0 : index
    %swap3A_12 = vector.load %arg4[%swap3A, %swap3A_11] : memref<4096x1xf32, #tpu.memory_space<vmem>>, vector<4096x1xf32>
    tpu.vector_store %arg4[%swap3A, %swap3A_11], %add3A_10 {strides = array<i32>} : memref<4096x1xf32, #tpu.memory_space<vmem>>, vector<4096x1xf32>,
    return
  }
  func.func @transform_0(%arg0: i32) -> (i32, i32) {
    %c0_i32 = arith.constant 0 : i32
    %c0_i32_0 = arith.constant 0 : i32
    return %arg0, %c0_i32 : i32, i32
  }
  func.func @transform_1(%arg0: i32) -> (i32, i32) {
    %c0_i32 = arith.constant 0 : i32
    %c0_i32_0 = arith.constant 0 : i32
    %c0_i32_1 = arith.constant 0 : i32
    return %c0_i32, %c0_i32_0 : i32, i32
  }
  func.func @transform_2(%arg0: i32) -> (i32, i32) {
    %c0_i32 = arith.constant 0 : i32
    %c0_i32_0 = arith.constant 0 : i32
    %c0_i32_1 = arith.constant 0 : i32
    return %c0_i32, %c0_i32_0 : i32, i32
  }
  func.func @transform_3(%arg0: i32) -> (i32, i32) {
    %c0_i32 = arith.constant 0 : i32
    %c0_i32_0 = arith.constant 0 : i32
    return %arg0, %c0_i32 : i32, i32
  }
}

</mosaic_0001>

<sc_bundles>
// kernel: kernel.5.cloned.1.call-start
scs
__scs_entry_jumppad:
0x0: {  	(pc) =	sbr.rel $0x88, $3  }
0x1: {  	(tag) =	ssettag $0x0;
	lr =	simm.s32 $0x1  }
0x2: {  	[smem:$0x3F9B] =	sst lr;
	_ =	strace $0xD0000000  }
0x3: {  	_ = 	snop  }
0x4: {  	_ = 	snop  }
0x5: {  	_ = 	snop  }
0x6: {  	_ = 	snop  }
0x7: {  	_ = 	snop  }
__scs_overlays_trampoline_lowered:
0x8: {  	[smem:$0x3FAA] =	sst s0  }
0x9: {  	[smem:$0x3FAB] =	sst s1  }
0xa: {  	[smem:$0x3FAC] =	sst s2  }
0xb: {  	[smem:$0x3FAD] =	sst s3  }
0xc: {  	[smem:$0x3FAE] =	sst s4  }
0xd: {  	[smem:$0x3FAF] =	sst s5  }
0xe: {  	[smem:$0x3FB0] =	sst s6  }
0xf: {  	[smem:$0x3FB1] =	sst s7  }
0x10: {  	[smem:$0x3FB2] =	sst s8  }
0x11: {  	[smem:$0x3FB3] =	sst s9;
	s0 =	simm.s32 @!p0 $0x0  }
0x12: {  	s1 =	sld [smem:$0x3F99];
	s0 =	simm.s32 @p0 $0x1  }
0x13: {  	[smem:$0x3FB4] =	sst s0;
	s0 =	simm.s32 @!p1 $0x0  }
0x14: {  	s2 =	sld [smem:$0x3F98];
	s0 =	simm.s32 @p1 $0x1  }
0x15: {  	[smem:$0x3FB5] =	sst s0;
	s0 =	simm.s32 @!p2 $0x0  }
0x16: {  	s3 =	sld [smem:$0x3FDB];
	s0 =	simm.s32 @p2 $0x1  }
0x17: {  	s4 =	simm.s32 $0x1BF5;
	[smem:$0x3FB7] =	sst s0  }
0x18: {  	s0 =	sld [smem:$0x3F9A];
	_ =	swait.ge [sflag:s4], $0x0  }
0x19: {  	s7 =	sld [smem:$0x3F9B]  }
0x1a: {  	s8 =	sadd.s32 $0xFFFFE003, lr  }
0x1b: {  	s9 =	sadd.s32 $0xFFFFFEF7, lr;
	s5 =	simm.s32 $0xFFFFFFFF;
	p2 =	slt.u32 s8, $0xFFFFF086  }
0x1c: {  	p1 =	slt.u32 s9, $0xF7A;
	s5 =	simm.s32 @!p2 $0x0  }
0x1d: {  	s5 =	simm.s32 @p1 $0x1;
	p0 =	seq.s32 s7, s2  }
0x1e: {  	s7 =	smul.u32 @!p0 $0xF7A, s2;
	p2 =	seq.s32 @!p0 s5, $0x0  }
0x1f: {  	s9 =	smul.u32 $0xF7A, s1;
	s8 =	simm.s32 @!p0 $0x1BF5;
	p2 =	por !p2, p0  }
0x20: {  	[sflag:s8] =	ssyncset.s32 @!p0 $0xFFFFF086;
	s6 =	sadd.s32 @!p0 s3, s7;
	s7 =	simm.s32 @!p0 $0x108  }
0x21: {  	s3 =	sadd.s32 s3, s9;
	s6 =	sadd.s32 @!p0 $0x88, s6;
	s7 =	simm.s32 @p2 $0x1082  }
0x22: {  	[simem:s7], [sflag:s8] =	dma.local @!p0 [hbm:s6], $0xF7A  }
0x23: {  	s9 =	sor.u32 $0xD0000000, s2;
	s6 =	simm.s32 $0x108;
	_ =	swait.ge @!p0 [sflag:s8], $0x0  }
0x24: {  	s3 =	sadd.s32 $0x88, s3;
	s6 =	simm.s32 @!p1 $0x1082;
	[sflag:s4] =	ssyncset.s32 $0xFFFFF086  }
0x25: {  	[simem:s6], [sflag:s4] =	dma.local [hbm:s3], $0xF7A  }
0x26: {  	[smem:$0x3F9B] =	sst s1;
	(tag) =	ssettag s2;
	_ =	strace s9  }
0x27: {  	s1 =	sld [smem:$0x3FAB]  }
0x28: {  	s2 =	sld [smem:$0x3FAC]  }
0x29: {  	s4 =	sld [smem:$0x3FAE]  }
0x2a: {  	p0 =	seq.s32 s5, $0x0;
	s5 =	sld [smem:$0x3FAF]  }
0x2b: {  	s6 =	sld [smem:$0x3FB0]  }
0x2c: {  	s7 =	sld [smem:$0x3FB1]  }
0x2d: {  	s3 =	simm.s32 $0x108;
	s8 =	sld [smem:$0x3FB2]  }
0x2e: {  	s3 =	simm.s32 @!p0 $0x1082;
	s9 =	sld [smem:$0x3FB3]  }
0x2f: {  	lr =	sadd.s32 s0, s3;
	s0 =	sld [smem:$0x3FAA]  }
0x30: {  	s3 =	sld [smem:$0x3FAD]  }
0x31: {  	[smem:$0x3FB6] =	sst s10  }
0x32: {  	s10 =	sld [smem:$0x3FB4];
	_ =	sdelay $0x3  }
0x33: {  	p0 =	seq.s32 s10, $0x1;
	s10 =	sld [smem:$0x3FB6];
	_ =	sdelay $0x3  }
0x34: {  	[smem:$0x3FB6] =	sst s10  }
0x35: {  	s10 =	sld [smem:$0x3FB5];
	_ =	sdelay $0x3  }
0x36: {  	p1 =	seq.s32 s10, $0x1;
	s10 =	sld [smem:$0x3FB6];
	_ =	sdelay $0x3  }
0x37: {  	[smem:$0x3FB6] =	sst s10  }
0x38: {  	s10 =	sld [smem:$0x3FB7]  }
0x39: {  	_ = 	snop;
	(pc) =	sbr.ind lr, $3  }
0x3a: {  	_ = 	snop  }
0x3b: {  	_ = 	snop  }
0x3c: {  	p2 =	seq.s32 s10, $0x1;
	s10 =	sld [smem:$0x3FB6]  }
0x3d: {  	_ =	shalt  }
0x3e: {  	_ =	shalt  }
0x3f: {  	_ =	shalt  }
0x40: {  	_ =	shalt  }
0x41: {  	_ =	shalt  }
0x42: {  	_ =	shalt  }
0x43: {  	_ =	shalt  }
0x44: {  	_ =	shalt  }
0x45: {  	_ =	shalt  }
0x46: {  	_ =	shalt  }
0x47: {  	_ =	shalt  }
0x48: {  	_ =	shalt  }
0x49: {  	_ =	shalt  }
0x4a: {  	_ =	shalt  }
0x4b: {  	_ =	shalt  }
0x4c: {  	_ =	shalt  }
0x4d: {  	_ =	shalt  }
0x4e: {  	_ =	shalt  }
0x4f: {  	_ =	shalt  }
0x50: {  	_ =	shalt  }
0x51: {  	_ =	shalt  }
0x52: {  	_ =	shalt  }
0x53: {  	_ =	shalt  }
0x54: {  	_ =	shalt  }
0x55: {  	_ =	shalt  }
0x56: {  	_ =	shalt  }
0x57: {  	_ =	shalt  }
0x58: {  	_ =	shalt  }
0x59: {  	_ =	shalt  }
0x5a: {  	_ =	shalt  }
0x5b: {  	_ =	shalt  }
0x5c: {  	_ =	shalt  }
0x5d: {  	_ =	shalt  }
0x5e: {  	_ =	shalt  }
0x5f: {  	_ =	shalt  }
0x60: {  	_ =	shalt  }
0x61: {  	_ =	shalt  }
0x62: {  	_ =	shalt  }
0x63: {  	_ =	shalt  }
0x64: {  	_ =	shalt  }
0x65: {  	_ =	shalt  }
0x66: {  	_ =	shalt  }
0x67: {  	_ =	shalt  }
0x68: {  	_ =	shalt  }
0x69: {  	_ =	shalt  }
0x6a: {  	_ =	shalt  }
0x6b: {  	_ =	shalt  }
0x6c: {  	_ =	shalt  }
0x6d: {  	_ =	shalt  }
0x6e: {  	_ =	shalt  }
0x6f: {  	_ =	shalt  }
0x70: {  	_ =	shalt  }
0x71: {  	_ =	shalt  }
0x72: {  	_ =	shalt  }
0x73: {  	_ =	shalt  }
0x74: {  	_ =	shalt  }
0x75: {  	_ =	shalt  }
0x76: {  	_ =	shalt  }
0x77: {  	_ =	shalt  }
0x78: {  	_ =	shalt  }
0x79: {  	_ =	shalt  }
0x7a: {  	_ =	shalt  }
0x7b: {  	_ =	shalt  }
0x7c: {  	_ =	shalt  }
0x7d: {  	_ =	shalt  }
0x7e: {  	_ =	shalt  }
0x7f: {  	_ =	shalt  }
0x80: {  	_ =	shalt  }
0x81: {  	_ =	shalt  }
0x82: {  	_ =	shalt  }
0x83: {  	_ =	shalt  }
0x84: {  	_ =	shalt  }
0x85: {  	_ =	shalt  }
0x86: {  	_ =	shalt  }
0x87: {  	_ =	shalt  }
.Lfunc_end0:
.L_simem_size_0:
called_computation_lowered:
.L_overlay_start_0:
0x88: {  	s2 =	sld [smem:$0x3FD9]  }
0x89: {  	s3 =	sld [smem:$0x3FFE];
	_ =	sdelay $0x1  }
0x8a: {  	s1 =	srdreg.scid  }
0x8b: {  	s0 =	sand.u32 $0x1, s1  }
0x8c: {  	s14 =	sshll.u32 s0, $0xA;
	s2 =	sadd.s32 s3, s2  }
0x8d: {  	s2 =	sadd.s32 s2, s14  }
0x8e: {  	[smem:$0x3FC2] =	sst s2  }
0x8f: {  	_ = 	snop  }
0x90: {  	s2 =	sld [smem:$0x3FD0];
	_ =	sdelay $0x2  }
0x91: {  	s4 =	simm.s32 $0xA;
	s5 =	simm.s32 $0x10;
	s15 =	sld [smem:$0x3FC5]  }
0x92: {  	[smem:s5], [sflag:s4] =	dma.local [hbm:s2], $0x1  }
0x93: {  	_ =	swait.eq [sflag:s4], $0x1  }
0x94: {  	[sflag:s4] =	ssyncset.done $0x0  }
0x95: {  	[sflag:s4] =	ssyncadd.s32 $0xFFFFFFFF  }
0x96: {  	s16 =	sld [smem:$0x11];
	(tm) =	ssettm $0x1  }
0x97: {  	s17 =	sld [smem:$0x3FFB];
	_ =	sdelay $0x3  }
0x98: {  	_ =	strace s17  }
0x99: {  	s4 =	sld [smem:$0x3FFC];
	_ =	sdelay $0x3  }
0x9a: {  	_ =	strace s4  }
0x9b: {  	s4 =	sld [smem:$0x3FFD];
	_ =	sdelay $0x3  }
0x9c: {  	_ =	strace s4  }
0x9d: {  	_ =	strace $0x8FFFFFFF  }
0x9e: {  	s18 =	sld [smem:$0x3FDB];
	_ =	sdelay $0x1  }
0x9f: {  	s19 =	simm.s32 $_scs_section_size  }
0xa0: {  	s6 =	simm.s32 $_size__tile_overlayer_lowered;
	s7 =	simm.s32 $_tile_overlayer_lowered  }
0xa1: {  	s22 =	simm.s32 $0x1BFF;
	s21 =	sshll.u32 s7, $0x1;
	s4 =	sadd.s32 s19, s18  }
0xa2: {  	s8 =	simm.s32 $0x0;
	s20 =	sshll.u32 s6, $0x1;
	s6 =	sadd.s32 s21, s4  }
0xa3: {  	[timem:s8], [sflag:s22] =	dma.local [hbm:s6], s20  }
0xa4: {  	_ =	swait.ge [sflag:s22], s20  }
0xa5: {  	s5 =	ssub.s32 $0x0, s20;
	[sflag:s22] =	ssyncset.done $0x0  }
0xa6: {  	[sflag:s22] =	ssyncadd.s32 s5;
	_ =	sdelay $0x1  }
0xa7: {  	s23 =	simm.s32 $0x1B8B  }
0xa8: {  	_ =	swait.ge [sflag:s23], $0x1  }
0xa9: {  	[sflag:s23] =	ssyncset.done $0x0  }
0xaa: {  	s25 =	simm.s32 $0x1B8E;
	s24 =	sld [smem:$0x3FFE];
	[sflag:s23] =	ssyncadd.s32 $0xFFFFFFFF  }
0xab: {  	s26 =	simm.s32 $execute0_lowered;
	[smem:$0x3FD2] =	sst s25  }
0xac: {  	s6 =	sshll.u32 s26, $0x1;
	_ =	strace $0x80000046;
	[dreg:$0x1] =	wrdreg $0xFFFFFFFF  }
0xad: {  	s28 =	simm.s32 $_size_execute0_lowered;
	s4 =	sadd.s32 s4, s6;
	[dreg:$0x0] =	wrdreg $0x0  }
0xae: {  	s6 =	sshll.u32 s28, $0x1;
	[dreg:$0x2] =	wrdreg s4  }
0xaf: {  	[dreg:$0x3] =	wrdreg s6  }
0xb0: {  	[dreg:$0x4] =	wrdreg $0xC0  }
0xb1: {  	_ =	task [dreg:s8], $0x5FFFF  }
0xb2: {  	[dreg:$0x1] =	wrdreg $0xFFFFFFFF  }
0xb3: {  	[dreg:$0x0] =	wrdreg $0x60  }
0xb4: {  	[dreg:$0x2] =	wrdreg s24  }
0xb5: {  	[dreg:$0x3] =	wrdreg s15  }
0xb6: {  	[dreg:$0x4] =	wrdreg s16  }
0xb7: {  	[dreg:$0x5] =	wrdreg $0x0  }
0xb8: {  	[dreg:$0x6] =	wrdreg $0x20000  }
0xb9: {  	[dreg:$0x7] =	wrdreg $0x9  }
0xba: {  	_ =	task.clear_ibuf [dreg:s8], $0x8FFFF;
	_ =	strace $0x90000046  }
0xbb: {  	s29 =	simm.s32 $0x9;
	_ =	strace $0x80000048  }
0xbc: {  	_ =	swait.ge [sflag:s29], $0x1  }
0xbd: {  	[sflag:s29] =	ssyncadd.s32 $0xFFFFFFFF  }
0xbe: {  	_ =	strace $0x90000048  }
0xbf: {  	_ =	sfence  }
0xc0: {  	s30 =	sld [smem:$0x0];
	_ =	sdelay $0x2  }
0xc1: {  	s31 =	sshll.u32 s1, $0xD;
	s1 =	sshrl.u32 s1, $0x2  }
0xc2: {  	s3 =	sand.u32 $0x4000, s31;
	s1 =	sadd.s32 s1, s30  }
0xc3: {  	s0 =	sor.u32 s3, s0;
	s1 =	sshll.u32 s1, $0x11  }
0xc4: {  	s0 =	sor.u32 s1, s0  }
0xc5: {  	s0 =	sadd.s32 $0x8F2B, s0  }
0xc6: {  	[sflag:s0] =	ssyncadd.remote.s32 $0x1  }
0xc7: {  	_ =	sfence.sel $0xFFFF  }
0xc8: {  	[dreg:$0x0] =	wrdreg $0xFFFFFFFF;
	(pc) =	sbr.abs _section_cstart, $3  }
0xc9: {  	[dreg:$0x1] =	wrdreg $0xFFFFFFFF  }
0xca: {  	_ =	task.clear_ibuf [dreg:s8], $0x2FFFF;
	_ =	strace $0x9FFFFFFF  }
0xcb: {  	(tm) =	ssettm $0x7FFFFFFF  }
tec
execute0_lowered:
.L_overlay_start_1:
0x0: {  	(tag) =	ssettag $0x1  }
0x1: {  	s6 =	rddreg [dreg:$0x0]  }
0x2: {  	s2 =	rddreg [dreg:$0x2]  }
0x3: {  	s3 =	rddreg [dreg:$0x3]  }
0x4: {  	s4 =	rddreg [dreg:$0x4]  }
0x5: {  	s7 =	srdreg.scid;
	s5 =	simm.s32 $0x0;
	s10 =	stileid.u32  }
0x6: {  	s11 =	simm.s32 $0x6;
	s12 =	simm.s32 $0x1;
	s13 =	simm.s32 $0xA000  }
0x7: {  	s14 =	simm.s32 $0xE000;
	s15 =	simm.s32 $0x12000;
	s16 =	simm.s32 $0x16000  }
0x8: {  	s17 =	simm.s32 $0x2;
	s18 =	simm.s32 $0x3;
	s19 =	simm.s32 $0x4  }
0x9: {  	s20 =	simm.s32 $0x5;
	s21 =	simm.s32 $0x0;
	s7 =	sand.u32 $0x1, s7  }
0xa: {  	[smem:$0x7FF] =	sst s5;
	s0 =	sadd.s32 $0x100400, s6;
	s8 =	ssub.s32 $0x2, s7  }
0xb: {  	s30 =	sshll.u32 s10, $0xC;
	p0 =	sne.s32 s10, $0x0;
	s9 =	sshrl.u32 s8, $0x1  }
0xc: {  	_ =	strace $0x80000047;
	[dreg:$0x6] =	wrdreg s0;
	s8 =	ssub.s32 s8, s9  }
0xd: {  	s7 =	sshll.u32 s7, $0xB;
	s10 =	sshrl.u32 @!p0 s4, $0x3;
	s31 =	smax.u32 s8, $0x1  }
0xe: {  	s7 =	sor.u32 s7, s30;
	s9 =	sshrl.u32 @!p0 s3, $0x3;
	[dreg:$0x7] =	wrdreg s31  }
.LBB2_1:
0xf: {  	s22 =	simm.s32 @!p0 $0x1C06;
	s0 =	rddreg [dreg:$0x1];
	s23 =	simm.s32 @!p0 $0x6  }
0x10: {  	[spmem:s9], [sflag:s22] =	dma.local @!p0 [hbm:s0], $0x4000  }
0x11: {  	_ =	swait.ge @!p0 [sflag:s23], $0x4000  }
0x12: {  	[sflag:s23] =	ssyncset.done @!p0 $0x0  }
0x13: {  	s0 =	rddreg [dreg:$0x6];
	[sflag:s23] =	ssyncadd.s32 @!p0 $0xFFFFC000  }
0x14: {  	[spmem:s10], [sflag:s22] =	dma.local @!p0 [hbm:s0], $0x10000  }
0x15: {  	_ =	swait.ge @!p0 [sflag:s23], $0x10000  }
0x16: {  	[sflag:s23] =	ssyncset.done @!p0 $0x0  }
0x17: {  	[sflag:s23] =	ssyncadd.s32 @!p0 $0xFFFF0000  }
0x18: {  	s22 =	simm.s32 $0x0;
	[bflag:$0x0] =	sbarrier.arrive $0xFFFF  }
.LBB2_2:
0x19: {  	s23 =	sshll.u32 s22, $0x7  }
0x1a: {  	s23 =	sor.u32 s7, s23  }
0x1b: {  	s24 =	sshll.u32 s23, $0x3  }
0x1c: {  	s24 =	sand.u32 $0x3FFFFFF8, s24  }
0x1d: {  	s24 =	sadd.s32 s24, s4  }
0x1e: {  	[smem:s5], [sflag:$0x6] =	stream.linear.gather [spmem:s24], $0x100, $0x38;
	[tilespmem:$0x1A000] =	vst v63  }
0x1f: {  	_ =	swait.ge [sflag:s11], $0x100  }
0x20: {  	p1 =	seq.s32 s22, $0x0;
	[sflag:s11] =	ssyncset.done $0x0  }
0x21: {  	s24 =	simm.s32 @!p1 $0x2;
	[sflag:s11] =	ssyncadd.s32 $0xFFFFFF00  }
0x22: {  	_ =	swait.ge @!p1 [sflag:s24], $0x4000  }
0x23: {  	[sflag:s24] =	ssyncset.done @!p1 $0x0  }
0x24: {  	[sflag:s24] =	ssyncadd.s32 @!p1 $0xFFFFC000  }
0x25: {  	s25 =	sld [smem:$0x0]  }
0x26: {  	s24 =	simm.s32 $0x0  }
0x27: {  	s26 =	sand.u32 $0x3000, s24  }
0x28: {  	s28 =	sand.u32 $0x380, s24;
	s29 =	sshll.u32 s25, $0x9;
	s30 =	sshll.u32 s25, $0x7  }
0x29: {  	s25 =	sor.u32 s28, s26;
	s26 =	simm.s32 $0x200;
	s31 =	sand.u32 $0xFFFFF000, s29  }
0x2a: {  	s28 =	simm.s32 $0x0;
	s29 =	sand.u32 $0x380, s30;
	s30 =	sadd.s32 s31, s3  }
.LBB2_3:
0x2b: {  	p2 =	sne.s32 s26, $0x3E00;
	s29 =	sadd.s32 s29, s30;
	s30 =	sadd.s32 $0xA000, s25  }
0x2c: {  	[tilespmem:s30], [sflag:$0x1] =	stream.linear.gather [spmem:s29], $0x80, $0x38;
	[tilespmem:$0x1A000] =	vst v63  }
0x2d: {  	s24 =	sadd.s32 $0x80, s24;
	s30 =	smov.u32 s25  }
0x2e: {  	s28 =	sadd.s32 $0x8, s28;
	s25 =	sand.u32 $0x3000, s26;
	s31 =	sand.u32 $0x380, s24  }
0x2f: {  	s25 =	sor.u32 s31, s25;
	s31 =	sadd.s32 $0x400, s29;
	s0 =	sld [smem:s28+$0x0]  }
0x30: {  	s1 =	sadd.s32 $0xA400, s30;
	s6 =	sadd.s32 $0xAC00, s30;
	s30 =	sadd.s32 $0xA800, s30  }
0x31: {  	[tilespmem:s1], [sflag:$0x1] =	stream.linear.gather [spmem:s31], $0x80, $0x38;
	[tilespmem:$0x1A000] =	vst v63  }
.Ltmp0:
0x32: {  	s31 =	sadd.s32 $0x800, s29;
	s1 =	sshll.u32 s0, $0x9;
	(pc) =	sbr.rel @p2 .LBB2_3-.Ltmp0, $4  }
0x33: {  	[tilespmem:s30], [sflag:$0x1] =	stream.linear.gather [spmem:s31], $0x80, $0x38;
	[tilespmem:$0x1A000] =	vst v63  }
0x34: {  	s29 =	sadd.s32 $0xC00, s29;
	s0 =	sshll.u32 s0, $0x7;
	s1 =	sand.u32 $0xFFFFF000, s1  }
0x35: {  	[tilespmem:s6], [sflag:$0x1] =	stream.linear.gather [spmem:s29], $0x80, $0x38;
	[tilespmem:$0x1A000] =	vst v63  }
0x36: {  	s26 =	sadd.s32 $0x200, s26;
	s30 =	sadd.s32 s1, s3;
	s29 =	sand.u32 $0x380, s0  }
0x37: {  	s0 =	sadd.s32 s29, s30;
	s1 =	sadd.s32 $0xA000, s25  }
0x38: {  	[tilespmem:s1], [sflag:$0x1] =	stream.linear.gather [spmem:s0], $0x80, $0x38;
	[tilespmem:$0x1A000] =	vst v63  }
0x39: {  	s6 =	sadd.s32 $0xA400, s25;
	s26 =	sadd.s32 $0x400, s0  }
0x3a: {  	[tilespmem:s6], [sflag:$0x1] =	stream.linear.gather [spmem:s26], $0x80, $0x38;
	[tilespmem:$0x1A000] =	vst v63  }
0x3b: {  	s24 =	sadd.s32 $0xA800, s25;
	s8 =	sadd.s32 $0x800, s0  }
0x3c: {  	[tilespmem:s24], [sflag:$0x1] =	stream.linear.gather [spmem:s8], $0x80, $0x38;
	[tilespmem:$0x1A000] =	vst v63  }
0x3d: {  	s0 =	sadd.s32 $0xC00, s0;
	s26 =	sadd.s32 $0xAC00, s25  }
0x3e: {  	[tilespmem:s26], [sflag:$0x1] =	stream.linear.gather [spmem:s0], $0x80, $0x38;
	[tilespmem:$0x1A000] =	vst v63  }
0x3f: {  	_ =	swait.ge [sflag:s12], $0x200  }
0x40: {  	[sflag:s12] =	ssyncset.done $0x0  }
0x41: {  	[sflag:s12] =	ssyncadd.s32 $0xFFFFFE00  }
0x42: {  	_ =	swait.ge [sflag:s12], $0x200  }
0x43: {  	[sflag:s12] =	ssyncset.done $0x0  }
0x44: {  	[sflag:s12] =	ssyncadd.s32 $0xFFFFFE00  }
0x45: {  	_ =	swait.ge [sflag:s12], $0x200  }
0x46: {  	[sflag:s12] =	ssyncset.done $0x0  }
0x47: {  	[sflag:s12] =	ssyncadd.s32 $0xFFFFFE00  }
0x48: {  	_ =	swait.ge [sflag:s12], $0x200  }
0x49: {  	[sflag:s12] =	ssyncset.done $0x0  }
0x4a: {  	[sflag:s12] =	ssyncadd.s32 $0xFFFFFE00  }
0x4b: {  	_ =	swait.ge [sflag:s12], $0x200  }
0x4c: {  	[sflag:s12] =	ssyncset.done $0x0  }
0x4d: {  	[sflag:s12] =	ssyncadd.s32 $0xFFFFFE00  }
0x4e: {  	_ =	swait.ge [sflag:s12], $0x200  }
0x4f: {  	[sflag:s12] =	ssyncset.done $0x0  }
0x50: {  	[sflag:s12] =	ssyncadd.s32 $0xFFFFFE00  }
0x51: {  	_ =	swait.ge [sflag:s12], $0x200  }
0x52: {  	[sflag:s12] =	ssyncset.done $0x0  }
0x53: {  	[sflag:s12] =	ssyncadd.s32 $0xFFFFFE00  }
0x54: {  	_ =	swait.ge [sflag:s12], $0x200  }
0x55: {  	[sflag:s12] =	ssyncset.done $0x0  }
0x56: {  	[sflag:s12] =	ssyncadd.s32 $0xFFFFFE00  }
0x57: {  	_ =	swait.ge [sflag:s12], $0x200  }
0x58: {  	[sflag:s12] =	ssyncset.done $0x0  }
0x59: {  	[sflag:s12] =	ssyncadd.s32 $0xFFFFFE00  }
0x5a: {  	_ =	swait.ge [sflag:s12], $0x200  }
0x5b: {  	[sflag:s12] =	ssyncset.done $0x0  }
0x5c: {  	[sflag:s12] =	ssyncadd.s32 $0xFFFFFE00  }
0x5d: {  	_ =	swait.ge [sflag:s12], $0x200  }
0x5e: {  	[sflag:s12] =	ssyncset.done $0x0  }
0x5f: {  	[sflag:s12] =	ssyncadd.s32 $0xFFFFFE00  }
0x60: {  	_ =	swait.ge [sflag:s12], $0x200  }
0x61: {  	[sflag:s12] =	ssyncset.done $0x0  }
0x62: {  	[sflag:s12] =	ssyncadd.s32 $0xFFFFFE00  }
0x63: {  	_ =	swait.ge [sflag:s12], $0x200  }
0x64: {  	[sflag:s12] =	ssyncset.done $0x0  }
0x65: {  	[sflag:s12] =	ssyncadd.s32 $0xFFFFFE00  }
0x66: {  	_ =	swait.ge [sflag:s12], $0x200  }
0x67: {  	[sflag:s12] =	ssyncset.done $0x0  }
0x68: {  	[sflag:s12] =	ssyncadd.s32 $0xFFFFFE00  }
0x69: {  	_ =	swait.ge [sflag:s12], $0x200  }
0x6a: {  	[sflag:s12] =	ssyncset.done $0x0  }
0x6b: {  	[sflag:s12] =	ssyncadd.s32 $0xFFFFFE00  }
0x6c: {  	_ =	swait.ge [sflag:s12], $0x200  }
0x6d: {  	[sflag:s12] =	ssyncset.done $0x0  }
0x6e: {  	[sflag:s12] =	ssyncadd.s32 $0xFFFFFE00  }
0x6f: {  	_ =	swait.ge [sflag:s12], $0x200  }
0x70: {  	[sflag:s12] =	ssyncset.done $0x0  }
0x71: {  	[sflag:s12] =	ssyncadd.s32 $0xFFFFFE00  }
0x72: {  	_ =	swait.ge [sflag:s12], $0x200  }
0x73: {  	[sflag:s12] =	ssyncset.done $0x0  }
0x74: {  	[sflag:s12] =	ssyncadd.s32 $0xFFFFFE00  }
0x75: {  	_ =	swait.ge [sflag:s12], $0x200  }
0x76: {  	[sflag:s12] =	ssyncset.done $0x0  }
0x77: {  	[sflag:s12] =	ssyncadd.s32 $0xFFFFFE00  }
0x78: {  	_ =	swait.ge [sflag:s12], $0x200  }
0x79: {  	[sflag:s12] =	ssyncset.done $0x0  }
0x7a: {  	[sflag:s12] =	ssyncadd.s32 $0xFFFFFE00  }
0x7b: {  	_ =	swait.ge [sflag:s12], $0x200  }
0x7c: {  	[sflag:s12] =	ssyncset.done $0x0  }
0x7d: {  	[sflag:s12] =	ssyncadd.s32 $0xFFFFFE00  }
0x7e: {  	_ =	swait.ge [sflag:s12], $0x200  }
0x7f: {  	[sflag:s12] =	ssyncset.done $0x0  }
0x80: {  	[sflag:s12] =	ssyncadd.s32 $0xFFFFFE00  }
0x81: {  	_ =	swait.ge [sflag:s12], $0x200  }
0x82: {  	[sflag:s12] =	ssyncset.done $0x0  }
0x83: {  	[sflag:s12] =	ssyncadd.s32 $0xFFFFFE00  }
0x84: {  	_ =	swait.ge [sflag:s12], $0x200  }
0x85: {  	[sflag:s12] =	ssyncset.done $0x0  }
0x86: {  	[sflag:s12] =	ssyncadd.s32 $0xFFFFFE00  }
0x87: {  	_ =	swait.ge [sflag:s12], $0x200  }
0x88: {  	[sflag:s12] =	ssyncset.done $0x0  }
0x89: {  	[sflag:s12] =	ssyncadd.s32 $0xFFFFFE00  }
0x8a: {  	_ =	swait.ge [sflag:s12], $0x200  }
0x8b: {  	[sflag:s12] =	ssyncset.done $0x0  }
0x8c: {  	[sflag:s12] =	ssyncadd.s32 $0xFFFFFE00  }
0x8d: {  	_ =	swait.ge [sflag:s12], $0x200  }
0x8e: {  	[sflag:s12] =	ssyncset.done $0x0  }
0x8f: {  	[sflag:s12] =	ssyncadd.s32 $0xFFFFFE00  }
0x90: {  	_ =	swait.ge [sflag:s12], $0x200  }
0x91: {  	[sflag:s12] =	ssyncset.done $0x0  }
0x92: {  	[sflag:s12] =	ssyncadd.s32 $0xFFFFFE00  }
0x93: {  	_ =	swait.ge [sflag:s12], $0x200  }
0x94: {  	[sflag:s12] =	ssyncset.done $0x0  }
0x95: {  	[sflag:s12] =	ssyncadd.s32 $0xFFFFFE00  }
0x96: {  	_ =	swait.ge [sflag:s12], $0x200  }
0x97: {  	[sflag:s12] =	ssyncset.done $0x0  }
0x98: {  	[sflag:s12] =	ssyncadd.s32 $0xFFFFFE00  }
0x99: {  	_ =	swait.ge [sflag:s12], $0x200  }
0x9a: {  	[sflag:s12] =	ssyncset.done $0x0  }
0x9b: {  	[sflag:s12] =	ssyncadd.s32 $0xFFFFFE00  }
0x9c: {  	_ =	swait.ge [sflag:s12], $0x200  }
0x9d: {  	s1 =	sshll.u32 s23, $0x6;
	s24 =	sor.u32 $0x20, s23;
	[sflag:s12] =	ssyncset.done $0x0  }
0x9e: {  	s6 =	sshll.u32 s24, $0x3;
	s0 =	sadd.s32 s2, s1;
	[sflag:s12] =	ssyncadd.s32 $0xFFFFFE00  }
0x9f: {  	[hbm4b:s0+s5] =	stream.linear.scatter [tilespmem:s13], [sflag:$0x2], $0x4000, $0x38;
	[tilespmem:$0x1A000] =	vst v63  }
0xa0: {  	s0 =	sand.u32 $0x3FFFFFF8, s6  }
0xa1: {  	s0 =	sadd.s32 s0, s4  }
0xa2: {  	[smem:s5], [sflag:$0x6] =	stream.linear.gather [spmem:s0], $0x100, $0x38;
	[tilespmem:$0x1A000] =	vst v63  }
0xa3: {  	_ =	swait.ge [sflag:s11], $0x100  }
0xa4: {  	[sflag:s11] =	ssyncset.done $0x0  }
0xa5: {  	s0 =	simm.s32 @!p1 $0x3;
	[sflag:s11] =	ssyncadd.s32 $0xFFFFFF00  }
0xa6: {  	_ =	swait.ge @!p1 [sflag:s0], $0x4000  }
0xa7: {  	[sflag:s0] =	ssyncset.done @!p1 $0x0  }
0xa8: {  	[sflag:s0] =	ssyncadd.s32 @!p1 $0xFFFFC000  }
0xa9: {  	s0 =	sld [smem:$0x0];
	_ =	sdelay $0x1  }
0xaa: {  	s29 =	simm.s32 $0x0;
	s25 =	simm.s32 $0x0  }
0xab: {  	s8 =	sand.u32 $0x3000, s25;
	s26 =	sand.u32 $0x380, s25;
	s28 =	sshll.u32 s0, $0x9  }
0xac: {  	s26 =	sor.u32 s26, s8;
	s0 =	sshll.u32 s0, $0x7;
	s8 =	sand.u32 $0xFFFFF000, s28  }
0xad: {  	s30 =	sand.u32 $0x380, s0;
	s28 =	simm.s32 $0x200;
	s31 =	sadd.s32 s8, s3  }
.LBB2_5:
0xae: {  	p2 =	sne.s32 s28, $0x3E00;
	s0 =	sadd.s32 s30, s31;
	s1 =	sadd.s32 $0xE000, s26  }
0xaf: {  	[tilespmem:s1], [sflag:$0x1] =	stream.linear.gather [spmem:s0], $0x80, $0x38;
	[tilespmem:$0x1A000] =	vst v63  }
0xb0: {  	s25 =	sadd.s32 $0x80, s25;
	s1 =	smov.u32 s26  }
0xb1: {  	s6 =	sand.u32 $0x3000, s28;
	s29 =	sadd.s32 $0x8, s29;
	s26 =	sand.u32 $0x380, s25  }
0xb2: {  	s26 =	sor.u32 s26, s6;
	s6 =	sadd.s32 $0x400, s0;
	s30 =	sld [smem:s29+$0x0]  }
0xb3: {  	s31 =	sadd.s32 $0xE400, s1;
	s8 =	sadd.s32 $0xEC00, s1;
	s1 =	sadd.s32 $0xE800, s1  }
0xb4: {  	[tilespmem:s31], [sflag:$0x1] =	stream.linear.gather [spmem:s6], $0x80, $0x38;
	[tilespmem:$0x1A000] =	vst v63  }
.Ltmp1:
0xb5: {  	s31 =	sadd.s32 $0x800, s0;
	s6 =	sshll.u32 s30, $0x9;
	(pc) =	sbr.rel @p2 .LBB2_5-.Ltmp1, $4  }
0xb6: {  	[tilespmem:s1], [sflag:$0x1] =	stream.linear.gather [spmem:s31], $0x80, $0x38;
	[tilespmem:$0x1A000] =	vst v63  }
0xb7: {  	s0 =	sadd.s32 $0xC00, s0;
	s1 =	sand.u32 $0xFFFFF000, s6;
	s6 =	sshll.u32 s30, $0x7  }
0xb8: {  	[tilespmem:s8], [sflag:$0x1] =	stream.linear.gather [spmem:s0], $0x80, $0x38;
	[tilespmem:$0x1A000] =	vst v63  }
0xb9: {  	s28 =	sadd.s32 $0x200, s28;
	s30 =	sand.u32 $0x380, s6;
	s31 =	sadd.s32 s1, s3  }
0xba: {  	s0 =	sadd.s32 s30, s31;
	s1 =	sadd.s32 $0xE000, s26  }
0xbb: {  	[tilespmem:s1], [sflag:$0x1] =	stream.linear.gather [spmem:s0], $0x80, $0x38;
	[tilespmem:$0x1A000] =	vst v63  }
0xbc: {  	s6 =	sadd.s32 $0xE400, s26;
	s25 =	sadd.s32 $0x400, s0  }
0xbd: {  	[tilespmem:s6], [sflag:$0x1] =	stream.linear.gather [spmem:s25], $0x80, $0x38;
	[tilespmem:$0x1A000] =	vst v63  }
0xbe: {  	s8 =	sadd.s32 $0xE800, s26;
	s6 =	sadd.s32 $0x800, s0  }
0xbf: {  	[tilespmem:s8], [sflag:$0x1] =	stream.linear.gather [spmem:s6], $0x80, $0x38;
	[tilespmem:$0x1A000] =	vst v63  }
0xc0: {  	s25 =	sadd.s32 $0xEC00, s26;
	s0 =	sadd.s32 $0xC00, s0  }
0xc1: {  	[tilespmem:s25], [sflag:$0x1] =	stream.linear.gather [spmem:s0], $0x80, $0x38;
	[tilespmem:$0x1A000] =	vst v63  }
0xc2: {  	_ =	swait.ge [sflag:s12], $0x200  }
0xc3: {  	[sflag:s12] =	ssyncset.done $0x0  }
0xc4: {  	[sflag:s12] =	ssyncadd.s32 $0xFFFFFE00  }
0xc5: {  	_ =	swait.ge [sflag:s12], $0x200  }
0xc6: {  	[sflag:s12] =	ssyncset.done $0x0  }
0xc7: {  	[sflag:s12] =	ssyncadd.s32 $0xFFFFFE00  }
0xc8: {  	_ =	swait.ge [sflag:s12], $0x200  }
0xc9: {  	[sflag:s12] =	ssyncset.done $0x0  }
0xca: {  	[sflag:s12] =	ssyncadd.s32 $0xFFFFFE00  }
0xcb: {  	_ =	swait.ge [sflag:s12], $0x200  }
0xcc: {  	[sflag:s12] =	ssyncset.done $0x0  }
0xcd: {  	[sflag:s12] =	ssyncadd.s32 $0xFFFFFE00  }
0xce: {  	_ =	swait.ge [sflag:s12], $0x200  }
0xcf: {  	[sflag:s12] =	ssyncset.done $0x0  }
0xd0: {  	[sflag:s12] =	ssyncadd.s32 $0xFFFFFE00  }
0xd1: {  	_ =	swait.ge [sflag:s12], $0x200  }
0xd2: {  	[sflag:s12] =	ssyncset.done $0x0  }
0xd3: {  	[sflag:s12] =	ssyncadd.s32 $0xFFFFFE00  }
0xd4: {  	_ =	swait.ge [sflag:s12], $0x200  }
0xd5: {  	[sflag:s12] =	ssyncset.done $0x0  }
0xd6: {  	[sflag:s12] =	ssyncadd.s32 $0xFFFFFE00  }
0xd7: {  	_ =	swait.ge [sflag:s12], $0x200  }
0xd8: {  	[sflag:s12] =	ssyncset.done $0x0  }
0xd9: {  	[sflag:s12] =	ssyncadd.s32 $0xFFFFFE00  }
0xda: {  	_ =	swait.ge [sflag:s12], $0x200  }
0xdb: {  	[sflag:s12] =	ssyncset.done $0x0  }
0xdc: {  	[sflag:s12] =	ssyncadd.s32 $0xFFFFFE00  }
0xdd: {  	_ =	swait.ge [sflag:s12], $0x200  }
0xde: {  	[sflag:s12] =	ssyncset.done $0x0  }
0xdf: {  	[sflag:s12] =	ssyncadd.s32 $0xFFFFFE00  }
0xe0: {  	_ =	swait.ge [sflag:s12], $0x200  }
0xe1: {  	[sflag:s12] =	ssyncset.done $0x0  }
0xe2: {  	[sflag:s12] =	ssyncadd.s32 $0xFFFFFE00  }
0xe3: {  	_ =	swait.ge [sflag:s12], $0x200  }
0xe4: {  	[sflag:s12] =	ssyncset.done $0x0  }
0xe5: {  	[sflag:s12] =	ssyncadd.s32 $0xFFFFFE00  }
0xe6: {  	_ =	swait.ge [sflag:s12], $0x200  }
0xe7: {  	[sflag:s12] =	ssyncset.done $0x0  }
0xe8: {  	[sflag:s12] =	ssyncadd.s32 $0xFFFFFE00  }
0xe9: {  	_ =	swait.ge [sflag:s12], $0x200  }
0xea: {  	[sflag:s12] =	ssyncset.done $0x0  }
0xeb: {  	[sflag:s12] =	ssyncadd.s32 $0xFFFFFE00  }
0xec: {  	_ =	swait.ge [sflag:s12], $0x200  }
0xed: {  	[sflag:s12] =	ssyncset.done $0x0  }
0xee: {  	[sflag:s12] =	ssyncadd.s32 $0xFFFFFE00  }
0xef: {  	_ =	swait.ge [sflag:s12], $0x200  }
0xf0: {  	[sflag:s12] =	ssyncset.done $0x0  }
0xf1: {  	[sflag:s12] =	ssyncadd.s32 $0xFFFFFE00  }
0xf2: {  	_ =	swait.ge [sflag:s12], $0x200  }
0xf3: {  	[sflag:s12] =	ssyncset.done $0x0  }
0xf4: {  	[sflag:s12] =	ssyncadd.s32 $0xFFFFFE00  }
0xf5: {  	_ =	swait.ge [sflag:s12], $0x200  }
0xf6: {  	[sflag:s12] =	ssyncset.done $0x0  }
0xf7: {  	[sflag:s12] =	ssyncadd.s32 $0xFFFFFE00  }
0xf8: {  	_ =	swait.ge [sflag:s12], $0x200  }
0xf9: {  	[sflag:s12] =	ssyncset.done $0x0  }
0xfa: {  	[sflag:s12] =	ssyncadd.s32 $0xFFFFFE00  }
0xfb: {  	_ =	swait.ge [sflag:s12], $0x200  }
0xfc: {  	[sflag:s12] =	ssyncset.done $0x0  }
0xfd: {  	[sflag:s12] =	ssyncadd.s32 $0xFFFFFE00  }
0xfe: {  	_ =	swait.ge [sflag:s12], $0x200  }
0xff: {  	[sflag:s12] =	ssyncset.done $0x0  }
0x100: {  	[sflag:s12] =	ssyncadd.s32 $0xFFFFFE00  }
0x101: {  	_ =	swait.ge [sflag:s12], $0x200  }
0x102: {  	[sflag:s12] =	ssyncset.done $0x0  }
0x103: {  	[sflag:s12] =	ssyncadd.s32 $0xFFFFFE00  }
0x104: {  	_ =	swait.ge [sflag:s12], $0x200  }
0x105: {  	[sflag:s12] =	ssyncset.done $0x0  }
0x106: {  	[sflag:s12] =	ssyncadd.s32 $0xFFFFFE00  }
0x107: {  	_ =	swait.ge [sflag:s12], $0x200  }
0x108: {  	[sflag:s12] =	ssyncset.done $0x0  }
0x109: {  	[sflag:s12] =	ssyncadd.s32 $0xFFFFFE00  }
0x10a: {  	_ =	swait.ge [sflag:s12], $0x200  }
0x10b: {  	[sflag:s12] =	ssyncset.done $0x0  }
0x10c: {  	[sflag:s12] =	ssyncadd.s32 $0xFFFFFE00  }
0x10d: {  	_ =	swait.ge [sflag:s12], $0x200  }
0x10e: {  	[sflag:s12] =	ssyncset.done $0x0  }
0x10f: {  	[sflag:s12] =	ssyncadd.s32 $0xFFFFFE00  }
0x110: {  	_ =	swait.ge [sflag:s12], $0x200  }
0x111: {  	[sflag:s12] =	ssyncset.done $0x0  }
0x112: {  	[sflag:s12] =	ssyncadd.s32 $0xFFFFFE00  }
0x113: {  	_ =	swait.ge [sflag:s12], $0x200  }
0x114: {  	[sflag:s12] =	ssyncset.done $0x0  }
0x115: {  	[sflag:s12] =	ssyncadd.s32 $0xFFFFFE00  }
0x116: {  	_ =	swait.ge [sflag:s12], $0x200  }
0x117: {  	[sflag:s12] =	ssyncset.done $0x0  }
0x118: {  	[sflag:s12] =	ssyncadd.s32 $0xFFFFFE00  }
0x119: {  	_ =	swait.ge [sflag:s12], $0x200  }
0x11a: {  	[sflag:s12] =	ssyncset.done $0x0  }
0x11b: {  	[sflag:s12] =	ssyncadd.s32 $0xFFFFFE00  }
0x11c: {  	_ =	swait.ge [sflag:s12], $0x200  }
0x11d: {  	[sflag:s12] =	ssyncset.done $0x0  }
0x11e: {  	[sflag:s12] =	ssyncadd.s32 $0xFFFFFE00  }
0x11f: {  	_ =	swait.ge [sflag:s12], $0x200  }
0x120: {  	s26 =	sshll.u32 s24, $0x6;
	s24 =	sor.u32 $0x40, s23;
	[sflag:s12] =	ssyncset.done $0x0  }
0x121: {  	s1 =	sshll.u32 s24, $0x3;
	s0 =	sadd.s32 s2, s26;
	[sflag:s12] =	ssyncadd.s32 $0xFFFFFE00  }
0x122: {  	[hbm4b:s0+s5] =	stream.linear.scatter [tilespmem:s14], [sflag:$0x3], $0x4000, $0x38;
	[tilespmem:$0x1A000] =	vst v63  }
0x123: {  	s0 =	sand.u32 $0x3FFFFFF8, s1  }
0x124: {  	s0 =	sadd.s32 s0, s4  }
0x125: {  	[smem:s5], [sflag:$0x6] =	stream.linear.gather [spmem:s0], $0x100, $0x38;
	[tilespmem:$0x1A000] =	vst v63  }
0x126: {  	_ =	swait.ge [sflag:s11], $0x100  }
0x127: {  	[sflag:s11] =	ssyncset.done $0x0  }
0x128: {  	s0 =	simm.s32 @!p1 $0x4;
	[sflag:s11] =	ssyncadd.s32 $0xFFFFFF00  }
0x129: {  	_ =	swait.ge @!p1 [sflag:s0], $0x4000  }
0x12a: {  	[sflag:s0] =	ssyncset.done @!p1 $0x0  }
0x12b: {  	[sflag:s0] =	ssyncadd.s32 @!p1 $0xFFFFC000  }
0x12c: {  	s0 =	sld [smem:$0x0];
	_ =	sdelay $0x1  }
0x12d: {  	s28 =	simm.s32 $0x0;
	s25 =	simm.s32 $0x0  }
0x12e: {  	s6 =	sand.u32 $0x3000, s25;
	s26 =	sand.u32 $0x380, s25;
	s8 =	sshll.u32 s0, $0x9  }
0x12f: {  	s29 =	sor.u32 s26, s6;
	s0 =	sshll.u32 s0, $0x7;
	s26 =	sand.u32 $0xFFFFF000, s8  }
0x130: {  	s30 =	sand.u32 $0x380, s0;
	s31 =	sadd.s32 s26, s3;
	s26 =	simm.s32 $0x200  }
.LBB2_7:
0x131: {  	p2 =	sne.s32 s26, $0x3E00;
	s0 =	sadd.s32 s30, s31;
	s1 =	sadd.s32 $0x12000, s29  }
0x132: {  	[tilespmem:s1], [sflag:$0x1] =	stream.linear.gather [spmem:s0], $0x80, $0x38;
	[tilespmem:$0x1A000] =	vst v63  }
0x133: {  	s25 =	sadd.s32 $0x80, s25  }
0x134: {  	s6 =	sand.u32 $0x3000, s26;
	s28 =	sadd.s32 $0x8, s28;
	s8 =	sand.u32 $0x380, s25  }
0x135: {  	s31 =	sor.u32 $0xC00, s1;
	s29 =	sor.u32 s8, s6;
	s30 =	sld [smem:s28+$0x0]  }
0x136: {  	s6 =	sadd.s32 $0x400, s0;
	s8 =	sor.u32 $0x400, s1;
	s1 =	sor.u32 $0x800, s1  }
0x137: {  	[tilespmem:s8], [sflag:$0x1] =	stream.linear.gather [spmem:s6], $0x80, $0x38;
	[tilespmem:$0x1A000] =	vst v63  }
.Ltmp2:
0x138: {  	s8 =	sadd.s32 $0x800, s0;
	s6 =	sshll.u32 s30, $0x9;
	(pc) =	sbr.rel @p2 .LBB2_7-.Ltmp2, $4  }
0x139: {  	[tilespmem:s1], [sflag:$0x1] =	stream.linear.gather [spmem:s8], $0x80, $0x38;
	[tilespmem:$0x1A000] =	vst v63  }
0x13a: {  	s0 =	sadd.s32 $0xC00, s0;
	s1 =	sand.u32 $0xFFFFF000, s6;
	s6 =	sshll.u32 s30, $0x7  }
0x13b: {  	[tilespmem:s31], [sflag:$0x1] =	stream.linear.gather [spmem:s0], $0x80, $0x38;
	[tilespmem:$0x1A000] =	vst v63  }
0x13c: {  	s26 =	sadd.s32 $0x200, s26;
	s30 =	sand.u32 $0x380, s6;
	s31 =	sadd.s32 s1, s3  }
0x13d: {  	s0 =	sadd.s32 s30, s31;
	s1 =	sadd.s32 $0x12000, s29  }
0x13e: {  	[tilespmem:s1], [sflag:$0x1] =	stream.linear.gather [spmem:s0], $0x80, $0x38;
	[tilespmem:$0x1A000] =	vst v63  }
0x13f: {  	s6 =	sadd.s32 $0x400, s0;
	s8 =	sor.u32 $0x400, s1  }
0x140: {  	[tilespmem:s8], [sflag:$0x1] =	stream.linear.gather [spmem:s6], $0x80, $0x38;
	[tilespmem:$0x1A000] =	vst v63  }
0x141: {  	s26 =	sadd.s32 $0x800, s0;
	s31 =	sor.u32 $0x800, s1  }
0x142: {  	[tilespmem:s31], [sflag:$0x1] =	stream.linear.gather [spmem:s26], $0x80, $0x38;
	[tilespmem:$0x1A000] =	vst v63  }
0x143: {  	s1 =	sor.u32 $0xC00, s1;
	s0 =	sadd.s32 $0xC00, s0  }
0x144: {  	[tilespmem:s1], [sflag:$0x1] =	stream.linear.gather [spmem:s0], $0x80, $0x38;
	[tilespmem:$0x1A000] =	vst v63  }
0x145: {  	_ =	swait.ge [sflag:s12], $0x200  }
0x146: {  	[sflag:s12] =	ssyncset.done $0x0  }
0x147: {  	[sflag:s12] =	ssyncadd.s32 $0xFFFFFE00  }
0x148: {  	_ =	swait.ge [sflag:s12], $0x200  }
0x149: {  	[sflag:s12] =	ssyncset.done $0x0  }
0x14a: {  	[sflag:s12] =	ssyncadd.s32 $0xFFFFFE00  }
0x14b: {  	_ =	swait.ge [sflag:s12], $0x200  }
0x14c: {  	[sflag:s12] =	ssyncset.done $0x0  }
0x14d: {  	[sflag:s12] =	ssyncadd.s32 $0xFFFFFE00  }
0x14e: {  	_ =	swait.ge [sflag:s12], $0x200  }
0x14f: {  	[sflag:s12] =	ssyncset.done $0x0  }
0x150: {  	[sflag:s12] =	ssyncadd.s32 $0xFFFFFE00  }
0x151: {  	_ =	swait.ge [sflag:s12], $0x200  }
0x152: {  	[sflag:s12] =	ssyncset.done $0x0  }
0x153: {  	[sflag:s12] =	ssyncadd.s32 $0xFFFFFE00  }
0x154: {  	_ =	swait.ge [sflag:s12], $0x200  }
0x155: {  	[sflag:s12] =	ssyncset.done $0x0  }
0x156: {  	[sflag:s12] =	ssyncadd.s32 $0xFFFFFE00  }
0x157: {  	_ =	swait.ge [sflag:s12], $0x200  }
0x158: {  	[sflag:s12] =	ssyncset.done $0x0  }
0x159: {  	[sflag:s12] =	ssyncadd.s32 $0xFFFFFE00  }
0x15a: {  	_ =	swait.ge [sflag:s12], $0x200  }
0x15b: {  	[sflag:s12] =	ssyncset.done $0x0  }
0x15c: {  	[sflag:s12] =	ssyncadd.s32 $0xFFFFFE00  }
0x15d: {  	_ =	swait.ge [sflag:s12], $0x200  }
0x15e: {  	[sflag:s12] =	ssyncset.done $0x0  }
0x15f: {  	[sflag:s12] =	ssyncadd.s32 $0xFFFFFE00  }
0x160: {  	_ =	swait.ge [sflag:s12], $0x200  }
0x161: {  	[sflag:s12] =	ssyncset.done $0x0  }
0x162: {  	[sflag:s12] =	ssyncadd.s32 $0xFFFFFE00  }
0x163: {  	_ =	swait.ge [sflag:s12], $0x200  }
0x164: {  	[sflag:s12] =	ssyncset.done $0x0  }
0x165: {  	[sflag:s12] =	ssyncadd.s32 $0xFFFFFE00  }
0x166: {  	_ =	swait.ge [sflag:s12], $0x200  }
0x167: {  	[sflag:s12] =	ssyncset.done $0x0  }
0x168: {  	[sflag:s12] =	ssyncadd.s32 $0xFFFFFE00  }
0x169: {  	_ =	swait.ge [sflag:s12], $0x200  }
0x16a: {  	[sflag:s12] =	ssyncset.done $0x0  }
0x16b: {  	[sflag:s12] =	ssyncadd.s32 $0xFFFFFE00  }
0x16c: {  	_ =	swait.ge [sflag:s12], $0x200  }
0x16d: {  	[sflag:s12] =	ssyncset.done $0x0  }
0x16e: {  	[sflag:s12] =	ssyncadd.s32 $0xFFFFFE00  }
0x16f: {  	_ =	swait.ge [sflag:s12], $0x200  }
0x170: {  	[sflag:s12] =	ssyncset.done $0x0  }
0x171: {  	[sflag:s12] =	ssyncadd.s32 $0xFFFFFE00  }
0x172: {  	_ =	swait.ge [sflag:s12], $0x200  }
0x173: {  	[sflag:s12] =	ssyncset.done $0x0  }
0x174: {  	[sflag:s12] =	ssyncadd.s32 $0xFFFFFE00  }
0x175: {  	_ =	swait.ge [sflag:s12], $0x200  }
0x176: {  	[sflag:s12] =	ssyncset.done $0x0  }
0x177: {  	[sflag:s12] =	ssyncadd.s32 $0xFFFFFE00  }
0x178: {  	_ =	swait.ge [sflag:s12], $0x200  }
0x179: {  	[sflag:s12] =	ssyncset.done $0x0  }
0x17a: {  	[sflag:s12] =	ssyncadd.s32 $0xFFFFFE00  }
0x17b: {  	_ =	swait.ge [sflag:s12], $0x200  }
0x17c: {  	[sflag:s12] =	ssyncset.done $0x0  }
0x17d: {  	[sflag:s12] =	ssyncadd.s32 $0xFFFFFE00  }
0x17e: {  	_ =	swait.ge [sflag:s12], $0x200  }
0x17f: {  	[sflag:s12] =	ssyncset.done $0x0  }
0x180: {  	[sflag:s12] =	ssyncadd.s32 $0xFFFFFE00  }
0x181: {  	_ =	swait.ge [sflag:s12], $0x200  }
0x182: {  	[sflag:s12] =	ssyncset.done $0x0  }
0x183: {  	[sflag:s12] =	ssyncadd.s32 $0xFFFFFE00  }
0x184: {  	_ =	swait.ge [sflag:s12], $0x200  }
0x185: {  	[sflag:s12] =	ssyncset.done $0x0  }
0x186: {  	[sflag:s12] =	ssyncadd.s32 $0xFFFFFE00  }
0x187: {  	_ =	swait.ge [sflag:s12], $0x200  }
0x188: {  	[sflag:s12] =	ssyncset.done $0x0  }
0x189: {  	[sflag:s12] =	ssyncadd.s32 $0xFFFFFE00  }
0x18a: {  	_ =	swait.ge [sflag:s12], $0x200  }
0x18b: {  	[sflag:s12] =	ssyncset.done $0x0  }
0x18c: {  	[sflag:s12] =	ssyncadd.s32 $0xFFFFFE00  }
0x18d: {  	_ =	swait.ge [sflag:s12], $0x200  }
0x18e: {  	[sflag:s12] =	ssyncset.done $0x0  }
0x18f: {  	[sflag:s12] =	ssyncadd.s32 $0xFFFFFE00  }
0x190: {  	_ =	swait.ge [sflag:s12], $0x200  }
0x191: {  	[sflag:s12] =	ssyncset.done $0x0  }
0x192: {  	[sflag:s12] =	ssyncadd.s32 $0xFFFFFE00  }
0x193: {  	_ =	swait.ge [sflag:s12], $0x200  }
0x194: {  	[sflag:s12] =	ssyncset.done $0x0  }
0x195: {  	[sflag:s12] =	ssyncadd.s32 $0xFFFFFE00  }
0x196: {  	_ =	swait.ge [sflag:s12], $0x200  }
0x197: {  	[sflag:s12] =	ssyncset.done $0x0  }
0x198: {  	[sflag:s12] =	ssyncadd.s32 $0xFFFFFE00  }
0x199: {  	_ =	swait.ge [sflag:s12], $0x200  }
0x19a: {  	[sflag:s12] =	ssyncset.done $0x0  }
0x19b: {  	[sflag:s12] =	ssyncadd.s32 $0xFFFFFE00  }
0x19c: {  	_ =	swait.ge [sflag:s12], $0x200  }
0x19d: {  	[sflag:s12] =	ssyncset.done $0x0  }
0x19e: {  	[sflag:s12] =	ssyncadd.s32 $0xFFFFFE00  }
0x19f: {  	_ =	swait.ge [sflag:s12], $0x200  }
0x1a0: {  	[sflag:s12] =	ssyncset.done $0x0  }
0x1a1: {  	[sflag:s12] =	ssyncadd.s32 $0xFFFFFE00  }
0x1a2: {  	_ =	swait.ge [sflag:s12], $0x200  }
0x1a3: {  	s23 =	sor.u32 $0x60, s23;
	s1 =	sshll.u32 s24, $0x6;
	[sflag:s12] =	ssyncset.done $0x0  }
0x1a4: {  	s6 =	sshll.u32 s23, $0x3;
	s0 =	sadd.s32 s2, s1;
	[sflag:s12] =	ssyncadd.s32 $0xFFFFFE00  }
0x1a5: {  	[hbm4b:s0+s5] =	stream.linear.scatter [tilespmem:s15], [sflag:$0x4], $0x4000, $0x38;
	[tilespmem:$0x1A000] =	vst v63  }
0x1a6: {  	s0 =	sand.u32 $0x3FFFFFF8, s6  }
0x1a7: {  	s0 =	sadd.s32 s0, s4  }
0x1a8: {  	[smem:s5], [sflag:$0x6] =	stream.linear.gather [spmem:s0], $0x100, $0x38;
	[tilespmem:$0x1A000] =	vst v63  }
0x1a9: {  	_ =	swait.ge [sflag:s11], $0x100  }
0x1aa: {  	[sflag:s11] =	ssyncset.done $0x0  }
0x1ab: {  	s0 =	simm.s32 @!p1 $0x5;
	[sflag:s11] =	ssyncadd.s32 $0xFFFFFF00  }
0x1ac: {  	_ =	swait.ge @!p1 [sflag:s0], $0x4000  }
0x1ad: {  	[sflag:s0] =	ssyncset.done @!p1 $0x0  }
0x1ae: {  	[sflag:s0] =	ssyncadd.s32 @!p1 $0xFFFFC000  }
0x1af: {  	s0 =	sld [smem:$0x0]  }
0x1b0: {  	s24 =	simm.s32 $0x0  }
0x1b1: {  	s8 =	sand.u32 $0x3000, s24;
	s25 =	sand.u32 $0x380, s24  }
0x1b2: {  	s28 =	sor.u32 s25, s8;
	s26 =	sshll.u32 s0, $0x9  }
0x1b3: {  	s25 =	simm.s32 $0x200;
	s0 =	sshll.u32 s0, $0x7;
	s31 =	sand.u32 $0xFFFFF000, s26  }
0x1b4: {  	s29 =	sand.u32 $0x380, s0;
	s26 =	simm.s32 $0x0;
	s30 =	sadd.s32 s31, s3  }
.LBB2_9:
0x1b5: {  	p1 =	sne.s32 s25, $0x3E00;
	s0 =	sadd.s32 s29, s30;
	s1 =	sadd.s32 $0x16000, s28  }
0x1b6: {  	[tilespmem:s1], [sflag:$0x1] =	stream.linear.gather [spmem:s0], $0x80, $0x38;
	[tilespmem:$0x1A000] =	vst v63  }
0x1b7: {  	s24 =	sadd.s32 $0x80, s24  }
0x1b8: {  	s6 =	sand.u32 $0x3000, s25;
	s26 =	sadd.s32 $0x8, s26;
	s8 =	sand.u32 $0x380, s24  }
0x1b9: {  	s30 =	sor.u32 $0xC00, s1;
	s28 =	sor.u32 s8, s6;
	s29 =	sld [smem:s26+$0x0]  }
0x1ba: {  	s6 =	sadd.s32 $0x400, s0;
	s8 =	sor.u32 $0x400, s1;
	s1 =	sor.u32 $0x800, s1  }
0x1bb: {  	[tilespmem:s8], [sflag:$0x1] =	stream.linear.gather [spmem:s6], $0x80, $0x38;
	[tilespmem:$0x1A000] =	vst v63  }
.Ltmp3:
0x1bc: {  	s8 =	sadd.s32 $0x800, s0;
	s6 =	sshll.u32 s29, $0x9;
	(pc) =	sbr.rel @p1 .LBB2_9-.Ltmp3, $4  }
0x1bd: {  	[tilespmem:s1], [sflag:$0x1] =	stream.linear.gather [spmem:s8], $0x80, $0x38;
	[tilespmem:$0x1A000] =	vst v63  }
0x1be: {  	s0 =	sadd.s32 $0xC00, s0;
	s1 =	sand.u32 $0xFFFFF000, s6;
	s6 =	sshll.u32 s29, $0x7  }
0x1bf: {  	[tilespmem:s30], [sflag:$0x1] =	stream.linear.gather [spmem:s0], $0x80, $0x38;
	[tilespmem:$0x1A000] =	vst v63  }
0x1c0: {  	s25 =	sadd.s32 $0x200, s25;
	s29 =	sand.u32 $0x380, s6;
	s30 =	sadd.s32 s1, s3  }
0x1c1: {  	s0 =	sadd.s32 s29, s30;
	s1 =	sadd.s32 $0x16000, s28  }
0x1c2: {  	[tilespmem:s1], [sflag:$0x1] =	stream.linear.gather [spmem:s0], $0x80, $0x38;
	[tilespmem:$0x1A000] =	vst v63  }
0x1c3: {  	s6 =	sadd.s32 $0x400, s0;
	s8 =	sor.u32 $0x400, s1  }
0x1c4: {  	[tilespmem:s8], [sflag:$0x1] =	stream.linear.gather [spmem:s6], $0x80, $0x38;
	[tilespmem:$0x1A000] =	vst v63  }
0x1c5: {  	s29 =	sadd.s32 $0x800, s0;
	s30 =	sor.u32 $0x800, s1  }
0x1c6: {  	[tilespmem:s30], [sflag:$0x1] =	stream.linear.gather [spmem:s29], $0x80, $0x38;
	[tilespmem:$0x1A000] =	vst v63  }
0x1c7: {  	s1 =	sor.u32 $0xC00, s1;
	s0 =	sadd.s32 $0xC00, s0  }
0x1c8: {  	[tilespmem:s1], [sflag:$0x1] =	stream.linear.gather [spmem:s0], $0x80, $0x38;
	[tilespmem:$0x1A000] =	vst v63  }
0x1c9: {  	_ =	swait.ge [sflag:s12], $0x200  }
0x1ca: {  	[sflag:s12] =	ssyncset.done $0x0  }
0x1cb: {  	[sflag:s12] =	ssyncadd.s32 $0xFFFFFE00  }
0x1cc: {  	_ =	swait.ge [sflag:s12], $0x200  }
0x1cd: {  	[sflag:s12] =	ssyncset.done $0x0  }
0x1ce: {  	[sflag:s12] =	ssyncadd.s32 $0xFFFFFE00  }
0x1cf: {  	_ =	swait.ge [sflag:s12], $0x200  }
0x1d0: {  	[sflag:s12] =	ssyncset.done $0x0  }
0x1d1: {  	[sflag:s12] =	ssyncadd.s32 $0xFFFFFE00  }
0x1d2: {  	_ =	swait.ge [sflag:s12], $0x200  }
0x1d3: {  	[sflag:s12] =	ssyncset.done $0x0  }
0x1d4: {  	[sflag:s12] =	ssyncadd.s32 $0xFFFFFE00  }
0x1d5: {  	_ =	swait.ge [sflag:s12], $0x200  }
0x1d6: {  	[sflag:s12] =	ssyncset.done $0x0  }
0x1d7: {  	[sflag:s12] =	ssyncadd.s32 $0xFFFFFE00  }
0x1d8: {  	_ =	swait.ge [sflag:s12], $0x200  }
0x1d9: {  	[sflag:s12] =	ssyncset.done $0x0  }
0x1da: {  	[sflag:s12] =	ssyncadd.s32 $0xFFFFFE00  }
0x1db: {  	_ =	swait.ge [sflag:s12], $0x200  }
0x1dc: {  	[sflag:s12] =	ssyncset.done $0x0  }
0x1dd: {  	[sflag:s12] =	ssyncadd.s32 $0xFFFFFE00  }
0x1de: {  	_ =	swait.ge [sflag:s12], $0x200  }
0x1df: {  	[sflag:s12] =	ssyncset.done $0x0  }
0x1e0: {  	[sflag:s12] =	ssyncadd.s32 $0xFFFFFE00  }
0x1e1: {  	_ =	swait.ge [sflag:s12], $0x200  }
0x1e2: {  	[sflag:s12] =	ssyncset.done $0x0  }
0x1e3: {  	[sflag:s12] =	ssyncadd.s32 $0xFFFFFE00  }
0x1e4: {  	_ =	swait.ge [sflag:s12], $0x200  }
0x1e5: {  	[sflag:s12] =	ssyncset.done $0x0  }
0x1e6: {  	[sflag:s12] =	ssyncadd.s32 $0xFFFFFE00  }
0x1e7: {  	_ =	swait.ge [sflag:s12], $0x200  }
0x1e8: {  	[sflag:s12] =	ssyncset.done $0x0  }
0x1e9: {  	[sflag:s12] =	ssyncadd.s32 $0xFFFFFE00  }
0x1ea: {  	_ =	swait.ge [sflag:s12], $0x200  }
0x1eb: {  	[sflag:s12] =	ssyncset.done $0x0  }
0x1ec: {  	[sflag:s12] =	ssyncadd.s32 $0xFFFFFE00  }
0x1ed: {  	_ =	swait.ge [sflag:s12], $0x200  }
0x1ee: {  	[sflag:s12] =	ssyncset.done $0x0  }
0x1ef: {  	[sflag:s12] =	ssyncadd.s32 $0xFFFFFE00  }
0x1f0: {  	_ =	swait.ge [sflag:s12], $0x200  }
0x1f1: {  	[sflag:s12] =	ssyncset.done $0x0  }
0x1f2: {  	[sflag:s12] =	ssyncadd.s32 $0xFFFFFE00  }
0x1f3: {  	_ =	swait.ge [sflag:s12], $0x200  }
0x1f4: {  	[sflag:s12] =	ssyncset.done $0x0  }
0x1f5: {  	[sflag:s12] =	ssyncadd.s32 $0xFFFFFE00  }
0x1f6: {  	_ =	swait.ge [sflag:s12], $0x200  }
0x1f7: {  	[sflag:s12] =	ssyncset.done $0x0  }
0x1f8: {  	[sflag:s12] =	ssyncadd.s32 $0xFFFFFE00  }
0x1f9: {  	_ =	swait.ge [sflag:s12], $0x200  }
0x1fa: {  	[sflag:s12] =	ssyncset.done $0x0  }
0x1fb: {  	[sflag:s12] =	ssyncadd.s32 $0xFFFFFE00  }
0x1fc: {  	_ =	swait.ge [sflag:s12], $0x200  }
0x1fd: {  	[sflag:s12] =	ssyncset.done $0x0  }
0x1fe: {  	[sflag:s12] =	ssyncadd.s32 $0xFFFFFE00  }
0x1ff: {  	_ =	swait.ge [sflag:s12], $0x200  }
0x200: {  	[sflag:s12] =	ssyncset.done $0x0  }
0x201: {  	[sflag:s12] =	ssyncadd.s32 $0xFFFFFE00  }
0x202: {  	_ =	swait.ge [sflag:s12], $0x200  }
0x203: {  	[sflag:s12] =	ssyncset.done $0x0  }
0x204: {  	[sflag:s12] =	ssyncadd.s32 $0xFFFFFE00  }
0x205: {  	_ =	swait.ge [sflag:s12], $0x200  }
0x206: {  	[sflag:s12] =	ssyncset.done $0x0  }
0x207: {  	[sflag:s12] =	ssyncadd.s32 $0xFFFFFE00  }
0x208: {  	_ =	swait.ge [sflag:s12], $0x200  }
0x209: {  	[sflag:s12] =	ssyncset.done $0x0  }
0x20a: {  	[sflag:s12] =	ssyncadd.s32 $0xFFFFFE00  }
0x20b: {  	_ =	swait.ge [sflag:s12], $0x200  }
0x20c: {  	[sflag:s12] =	ssyncset.done $0x0  }
0x20d: {  	[sflag:s12] =	ssyncadd.s32 $0xFFFFFE00  }
0x20e: {  	_ =	swait.ge [sflag:s12], $0x200  }
0x20f: {  	[sflag:s12] =	ssyncset.done $0x0  }
0x210: {  	[sflag:s12] =	ssyncadd.s32 $0xFFFFFE00  }
0x211: {  	_ =	swait.ge [sflag:s12], $0x200  }
0x212: {  	[sflag:s12] =	ssyncset.done $0x0  }
0x213: {  	[sflag:s12] =	ssyncadd.s32 $0xFFFFFE00  }
0x214: {  	_ =	swait.ge [sflag:s12], $0x200  }
0x215: {  	[sflag:s12] =	ssyncset.done $0x0  }
0x216: {  	[sflag:s12] =	ssyncadd.s32 $0xFFFFFE00  }
0x217: {  	_ =	swait.ge [sflag:s12], $0x200  }
0x218: {  	[sflag:s12] =	ssyncset.done $0x0  }
0x219: {  	[sflag:s12] =	ssyncadd.s32 $0xFFFFFE00  }
0x21a: {  	_ =	swait.ge [sflag:s12], $0x200  }
0x21b: {  	[sflag:s12] =	ssyncset.done $0x0  }
0x21c: {  	[sflag:s12] =	ssyncadd.s32 $0xFFFFFE00  }
0x21d: {  	_ =	swait.ge [sflag:s12], $0x200  }
0x21e: {  	[sflag:s12] =	ssyncset.done $0x0  }
0x21f: {  	[sflag:s12] =	ssyncadd.s32 $0xFFFFFE00  }
0x220: {  	_ =	swait.ge [sflag:s12], $0x200  }
0x221: {  	[sflag:s12] =	ssyncset.done $0x0  }
0x222: {  	[sflag:s12] =	ssyncadd.s32 $0xFFFFFE00  }
0x223: {  	s22 =	sadd.s32 $0x1, s22;
	_ =	swait.ge [sflag:s12], $0x200  }
0x224: {  	p1 =	sne.s32 s22, $0x10;
	[sflag:s12] =	ssyncset.done $0x0  }
.Ltmp4:
0x225: {  	[sflag:s12] =	ssyncadd.s32 $0xFFFFFE00;
	(pc) =	sbr.rel @p1 .LBB2_2-.Ltmp4, $4  }
0x226: {  	_ =	swait.ge [sflag:s12], $0x200  }
0x227: {  	s31 =	sshll.u32 s23, $0x6;
	[sflag:s12] =	ssyncset.done $0x0  }
0x228: {  	s0 =	sadd.s32 s2, s31;
	[sflag:s12] =	ssyncadd.s32 $0xFFFFFE00  }
0x229: {  	[hbm4b:s0+s5] =	stream.linear.scatter [tilespmem:s16], [sflag:$0x5], $0x4000, $0x38;
	[tilespmem:$0x1A000] =	vst v63  }
0x22a: {  	_ =	swait.ge [sflag:s17], $0x4000  }
0x22b: {  	[sflag:s17] =	ssyncset.done $0x0  }
0x22c: {  	[sflag:s17] =	ssyncadd.s32 $0xFFFFC000  }
0x22d: {  	_ =	swait.ge [sflag:s18], $0x4000  }
0x22e: {  	[sflag:s18] =	ssyncset.done $0x0  }
0x22f: {  	[sflag:s18] =	ssyncadd.s32 $0xFFFFC000  }
0x230: {  	_ =	swait.ge [sflag:s19], $0x4000  }
0x231: {  	[sflag:s19] =	ssyncset.done $0x0  }
0x232: {  	[sflag:s19] =	ssyncadd.s32 $0xFFFFC000  }
0x233: {  	_ =	swait.ge [sflag:s20], $0x4000  }
0x234: {  	s21 =	sadd.s32 $0x1, s21;
	s0 =	rddreg [dreg:$0x7]  }
0x235: {  	p1 =	sne.s32 s21, s0  }
.Ltmp5:
0x236: {  	_ = 	snop;
	(pc) =	sbr.rel @p1 .LBB2_1-.Ltmp5, $3  }
0x237: {  	_ =	sdelay $0x1  }
0x238: {  	[sflag:s20] =	ssyncset.done $0x0  }
0x239: {  	[sflag:s20] =	ssyncadd.s32 $0xFFFFC000  }
0x23a: {  	_ =	sfence.sel $0x180000  }
0x23b: {  	[bflag:$0x0] =	sbarrier.arrive $0xFFFF  }
0x23c: {  	_ =	strace $0x90000047  }
0x23d: {  	[bflag:$0x2] =	sbarrier.arrive $0xFFFF  }
0x23e: {  	s0 =	rddreg [dreg:$0x5]  }
0x23f: {  	s0 =	sadd.s32 @!p0 $0x100000, s0  }
0x240: {  	[sflag:s0] =	ssyncadd.tile.s32 @!p0 $0x1;
	_ =	shalt  }
.Lfunc_end2:
_tile_overlayer_lowered:
.L_overlay_start_2:
0x241: {  	(tag) =	ssettag $0x2  }
0x242: {  	s0 =	rddreg [dreg:$0x0];
	s2 =	stileid.u32  }
0x243: {  	s1 =	rddreg [dreg:$0x1];
	p0 =	sne.s32 s2, $0x0  }
0x244: {  	s3 =	rddreg [dreg:$0x2];
	[bflag:$0x3] =	sbarrier.arrive $0xFFFF;
	s2 =	simm.s32 @!p0 $0x1C06  }
0x245: {  	[timem:s3], [sflag:s2] =	dma.local @!p0 [hbm:s0], s1  }
0x246: {  	s0 =	simm.s32 @!p0 $0x6  }
0x247: {  	_ =	swait.ge @!p0 [sflag:s0], s1  }
0x248: {  	s1 =	ssub.s32 @!p0 $0x0, s1;
	[sflag:s0] =	ssyncset.done @!p0 $0x0  }
0x249: {  	[sflag:s0] =	ssyncadd.s32 @!p0 s1  }
0x24a: {  	[bflag:$0x3] =	sbarrier.arrive $0xFFFF  }
0x24b: {  	_ =	shalt  }

</sc_bundles>
